<compile_context>
chip_gen: v7x
topology: tpu7x:2x2x1
jax: 0.10.2.dev20260603
libtpu: 0.0.44.dev20260713+nightly
codegen_flags: <defaults>
</compile_context>

<pallas_src>
import functools
import math

import jax
import jax.numpy as jnp
from jax import lax
from jax.experimental import pallas as pl
from jax.experimental.pallas import tpu as pltpu
from jax.experimental.pallas import tpu_sc as plsc

D_MODEL = 2048
HEAD_DIM = 128
ROPE_THETA = 10000.0

NC, NS = 2, 16
NW = NC * NS
CHUNK = 8
L_G = 2
L_W = 4
NBUF = L_G + L_W


def _gather_body(rows_per_worker, seqlen, idx_hbm, tbl_hbm, out_hbm,
                 idx_v, bufs, *sems):
    wid = lax.axis_index("s") * NC + lax.axis_index("c")
    workers_per_row = seqlen // rows_per_worker
    b0 = wid // workers_per_row
    s0 = (wid % workers_per_row) * rows_per_worker
    pltpu.sync_copy(idx_hbm.at[b0, pl.ds(s0, rows_per_worker)], idx_v)
    gsems = sems[:NBUF]
    osems = sems[NBUF:]
    CH = rows_per_worker // CHUNK

    def start_gather(j, b):
        pltpu.async_copy(tbl_hbm.at[idx_v.at[pl.ds(j * CHUNK, CHUNK)]],
                         bufs.at[b], gsems[b])

    def wait_gather(j, b):
        pltpu.make_async_copy(tbl_hbm.at[idx_v.at[pl.ds(j * CHUNK, CHUNK)]],
                              bufs.at[b], gsems[b]).wait()

    def start_out(j, b):
        pltpu.async_copy(bufs.at[b],
                         out_hbm.at[b0, pl.ds(s0 + j * CHUNK, CHUNK)],
                         osems[b])

    def wait_out(j, b):
        pltpu.make_async_copy(bufs.at[b],
                              out_hbm.at[b0, pl.ds(s0 + j * CHUNK, CHUNK)],
                              osems[b]).wait()

    K = (CH - L_W - L_G) // NBUF

    for j in range(L_G):
        start_gather(j, j)
    for j in range(L_W):
        wait_gather(j, j)
        start_out(j, j)
        start_gather(j + L_G, (j + L_G) % NBUF)

    @pl.loop(L_W, L_W + K * NBUF, step=NBUF)
    def _(g):
        for db in range(NBUF):
            j = g + db
            b = (L_W + db) % NBUF
            wait_gather(j, b)
            start_out(j, b)
            wait_out(j - L_W, (b - L_W) % NBUF)
            start_gather(j + L_G, (b + L_G) % NBUF)

    for j in range(L_W + K * NBUF, CH):
        b = j % NBUF
        wait_gather(j, b)
        start_out(j, b)
        wait_out(j - L_W, (j - L_W) % NBUF)
        if j + L_G < CH:
            start_gather(j + L_G, (j + L_G) % NBUF)
    for j in range(CH - L_W, CH):
        wait_out(j, j % NBUF)


def _emb_gather(input_ids, weight):
    bsz, seqlen = input_ids.shape
    rows_per_worker = bsz * seqlen // NW
    mesh = plsc.VectorSubcoreMesh(core_axis_name="c", subcore_axis_name="s")
    k = pl.kernel(
        functools.partial(_gather_body, rows_per_worker, seqlen),
        out_type=jax.ShapeDtypeStruct((bsz, seqlen, D_MODEL), jnp.float32),
        mesh=mesh,
        scratch_types=[
            pltpu.VMEM((rows_per_worker,), jnp.int32),
            pltpu.VMEM((NBUF, CHUNK, D_MODEL), jnp.float32),
        ] + [pltpu.SemaphoreType.DMA] * (2 * NBUF),
    )
    return k(input_ids, weight)


def _mask_freqs_body(block_rows, seqlen, half, mask_ref, cs_ref):
    i = pl.program_id(0)
    r = lax.broadcasted_iota(jnp.int32, (block_rows, seqlen), 0) + i * block_rows
    c = lax.broadcasted_iota(jnp.int32, (block_rows, seqlen), 1)
    mask_ref[...] = jnp.where(c > r, float("-inf"), 0.0).astype(jnp.float32)

    t = (lax.broadcasted_iota(jnp.int32, (block_rows, 2 * half), 0)
         + i * block_rows).astype(jnp.float32)
    fc = lax.broadcasted_iota(jnp.int32, (block_rows, 2 * half), 1)
    k = jnp.where(fc < half, fc, fc - half).astype(jnp.float32)
    inv = jnp.exp(k * (-2.0 * math.log(ROPE_THETA) / HEAD_DIM))
    shift = jnp.where(fc < half, 0.0, 0.5 * math.pi).astype(jnp.float32)
    cs_ref[...] = jnp.cos(t * inv - shift)


def _mask_and_freqs(seqlen):
    block_rows = 256
    half = HEAD_DIM // 2
    mask, cs = pl.pallas_call(
        functools.partial(_mask_freqs_body, block_rows, seqlen, half),
        out_shape=[
            jax.ShapeDtypeStruct((seqlen, seqlen), jnp.float32),
            jax.ShapeDtypeStruct((seqlen, 2 * half), jnp.float32),
        ],
        grid=(seqlen // block_rows,),
        out_specs=[
            pl.BlockSpec((block_rows, seqlen), lambda i: (i, 0)),
            pl.BlockSpec((block_rows, 2 * half), lambda i: (i, 0)),
        ],
    )()
    return mask, jax.lax.complex(cs[:, :half], cs[:, half:])


def kernel(input_ids, labels, weight):
    bsz, seqlen = input_ids.shape
    hidden = _emb_gather(input_ids, weight)
    mask, freqs = _mask_and_freqs(seqlen)
    return (hidden, freqs, mask, labels)

# --- scband reference (transcript-rebuilt; emitter-appended) ---
"""Pipeline reference for scband-embedding-pipeline-layer-89120571392237 (READ-ONLY COPY).

The authoritative reference and input builder live on the scoring server;
editing this copy changes nothing except your own understanding.
"""

import jax, jax.numpy as jnp
import numpy as np

VOCAB = 32000
D_MODEL = 2048
HEAD_DIM = 128
MAX_LEN = 4096
ROPE_THETA = 10000.0


def precompute_freqs_cis(dim, end, theta):
    freqs = 1.0 / (theta ** (jnp.arange(0, dim, 2)[: dim // 2].astype(jnp.float32) / dim))
    t = jnp.arange(end, dtype=jnp.float32)
    freqs = jnp.outer(t, freqs)
    # torch.polar(ones, freqs) -> exp(i * freqs)
    freqs_cis = jnp.exp(1j * freqs.astype(jnp.complex64)).astype(jnp.complex64)
    return freqs_cis


def get_masks(seqlen, dtype, start_pos=0):
    if seqlen > 1:
        mask = jnp.full((seqlen, seqlen), float('-inf'), dtype=jnp.float32)
        mask = jnp.triu(mask, k=1)
        mask = jnp.concatenate([jnp.zeros((seqlen, start_pos), dtype=jnp.float32), mask], axis=1).astype(dtype)
        return mask
    return None


def setup_inputs(seed: int = 0) -> dict:
    key = jax.random.key(seed)
    k1, k2, k3 = jax.random.split(key, 3)
    input_ids = jax.random.randint(k1, (4, 4096), 0, VOCAB, dtype=jnp.int32)
    labels = jax.random.randint(k2, (4, 4096), 0, VOCAB, dtype=jnp.int32)
    weight = jax.random.normal(k3, (VOCAB, D_MODEL), dtype=jnp.float32) * 0.02
    return {"input_ids": input_ids, "labels": labels, "weight": weight}


def reference(input_ids, labels, weight):
    # hidden_states = F.embedding(input_ids, weight)
    hidden_states = jnp.take(weight, input_ids, axis=0)
    seqlen = input_ids.shape[1]
    attention_mask = get_masks(seqlen, hidden_states.dtype, start_pos=0)
    freqs_cis = precompute_freqs_cis(HEAD_DIM, MAX_LEN, ROPE_THETA)
    return (hidden_states, freqs_cis, attention_mask, labels)

if __name__ == "__main__":
    import jax
    _d = setup_inputs()
    print(jax.jit(kernel)(*tuple(_d.values())))

</pallas_src>

<mosaic_0001>
#map = affine_map<(d0, d1) -> (0, 0)>
#map1 = affine_map<(d0, d1) -> (0, 0, 0)>
module attributes {stable_mosaic.version = 14 : i64} {
  func.func @_gather_body(%arg0: i32, %arg1: i32, %arg2: memref<4x4096xi32, #tpu.memory_space<hbm>>, %arg3: memref<32000x2048xf32, #tpu.memory_space<hbm>>, %arg4: memref<4x4096x2048xf32, #tpu.memory_space<hbm>>, %arg5: memref<512xi32, #tpu.memory_space<vmem>>, %arg6: memref<6x8x2048xf32, #tpu.memory_space<vmem>>, %arg7: memref<!tpu.dma_semaphore, #tpu.memory_space<semaphore_mem>>, %arg8: memref<!tpu.dma_semaphore, #tpu.memory_space<semaphore_mem>>, %arg9: memref<!tpu.dma_semaphore, #tpu.memory_space<semaphore_mem>>, %arg10: memref<!tpu.dma_semaphore, #tpu.memory_space<semaphore_mem>>, %arg11: memref<!tpu.dma_semaphore, #tpu.memory_space<semaphore_mem>>, %arg12: memref<!tpu.dma_semaphore, #tpu.memory_space<semaphore_mem>>, %arg13: memref<!tpu.dma_semaphore, #tpu.memory_space<semaphore_mem>>, %arg14: memref<!tpu.dma_semaphore, #tpu.memory_space<semaphore_mem>>, %arg15: memref<!tpu.dma_semaphore, #tpu.memory_space<semaphore_mem>>, %arg16: memref<!tpu.dma_semaphore, #tpu.memory_space<semaphore_mem>>, %arg17: memref<!tpu.dma_semaphore, #tpu.memory_space<semaphore_mem>>, %arg18: memref<!tpu.dma_semaphore, #tpu.memory_space<semaphore_mem>>) attributes {dimension_semantics = [#tpu.dimension_semantics<core_parallel>, #tpu.dimension_semantics<subcore_parallel>], iteration_bounds = array<i64: 2, 16>, scalar_prefetch = 0 : i64, scratch_operands = 14 : i64, tpu.core_type = #tpu.core_type<sc_vector_subcore>, window_params = [{transform_indices = #map}, {transform_indices = #map}, {transform_indices = #map1}]} {
    %mul3A = arith.constant 2 : i32
    %mul3A_0 = arith.muli %arg1, %mul3A : i32
    %add3A = arith.addi %mul3A_0, %arg0 : i32
    %jit3A = arith.constant 8 : i32
    %div3A = arith.divsi %add3A, %jit3A : i32
    %sign3A = arith.constant 0 : i32
    %sign3A_1 = arith.cmpi sgt, %add3A, %sign3A : i32
    %sign3A_2 = arith.extui %sign3A_1 : i1 to i32
    %sign3A_3 = arith.constant 0 : i32
    %sign3A_4 = arith.cmpi slt, %add3A, %sign3A_3 : i32
    %sign3A_5 = arith.extui %sign3A_4 : i1 to i32
    %sign3A_6 = arith.subi %sign3A_2, %sign3A_5 : i32
    %sign3A_7 = arith.constant 0 : i32
    %sign3A_8 = arith.cmpi sgt, %jit3A, %sign3A_7 : i32
    %sign3A_9 = arith.extui %sign3A_8 : i1 to i32
    %sign3A_10 = arith.constant 0 : i32
    %sign3A_11 = arith.cmpi slt, %jit3A, %sign3A_10 : i32
    %sign3A_12 = arith.extui %sign3A_11 : i1 to i32
    %sign3A_13 = arith.subi %sign3A_9, %sign3A_12 : i32
    %ne3A = arith.cmpi ne, %sign3A_6, %sign3A_13 : i32
    %rem3A = arith.remsi %add3A, %jit3A : i32
    %ne3A_14 = arith.constant 0 : i32
    %ne3A_15 = arith.cmpi ne, %rem3A, %ne3A_14 : i32
    %and3A = arith.andi %ne3A, %ne3A_15 : i1
    %sub3A = arith.constant 1 : i32
    %sub3A_16 = arith.subi %div3A, %sub3A : i32
    %select_n3A = arith.select %and3A, %sub3A_16, %div3A : i32
    %jit3A_17 = arith.constant 8 : i32
    %eq3A = arith.constant 0 : i32
    %eq3A_18 = arith.cmpi eq, %jit3A_17, %eq3A : i32
    %jit3A_19 = arith.constant 1 : i32
    %select_n3A_20 = arith.select %eq3A_18, %jit3A_19, %jit3A_17 : i32
    %rem3A_21 = arith.remsi %add3A, %select_n3A_20 : i32
    %ne3A_22 = arith.constant 0 : i32
    %ne3A_23 = arith.cmpi ne, %rem3A_21, %ne3A_22 : i32
    %lt3A = arith.constant 0 : i32
    %lt3A_24 = arith.cmpi slt, %rem3A_21, %lt3A : i32
    %lt3A_25 = arith.constant 0 : i32
    %lt3A_26 = arith.cmpi slt, %select_n3A_20, %lt3A_25 : i32
    %ne3A_27 = arith.xori %lt3A_24, %lt3A_26 : i1
    %and3A_28 = arith.andi %ne3A_27, %ne3A_23 : i1
    %add3A_29 = arith.addi %rem3A_21, %select_n3A_20 : i32
    %select_n3A_30 = arith.select %and3A_28, %add3A_29, %rem3A_21 : i32
    %mul3A_31 = arith.constant 512 : i32
    %mul3A_32 = arith.muli %select_n3A_30, %mul3A_31 : i32
    "tpu.region"() ({
      %run_scoped3A = tpu.sem_alloc : memref<!tpu.dma_semaphore, #tpu.memory_space<semaphore_mem>>
      %dma_start3A_575 = tpu.memref_slice %arg2[%select_n3A, %mul3A_32] : memref<4x4096xi32, #tpu.memory_space<hbm>> -> memref<1x512xi32, #tpu.memory_space<hbm>>
      %dma_start3A_576 = tpu.memref_squeeze %dma_start3A_575 : memref<1x512xi32, #tpu.memory_space<hbm>> -> memref<512xi32, #tpu.memory_space<hbm>>
      %dma_start3A_577 = tpu.memref_slice %arg2[%select_n3A, %mul3A_32] : memref<4x4096xi32, #tpu.memory_space<hbm>> -> memref<1x512xi32, #tpu.memory_space<hbm>>
      %dma_start3A_578 = tpu.memref_squeeze %dma_start3A_577 : memref<1x512xi32, #tpu.memory_space<hbm>> -> memref<512xi32, #tpu.memory_space<hbm>>
      tpu.enqueue_dma source(%dma_start3A_578 : memref<512xi32, #tpu.memory_space<hbm>>) target(%arg5 : memref<512xi32, #tpu.memory_space<vmem>>) target_semaphore(%run_scoped3A : memref<!tpu.dma_semaphore, #tpu.memory_space<semaphore_mem>>)
      %dma_wait3A_579 = tpu.memref_slice %arg2[%select_n3A, %mul3A_32] : memref<4x4096xi32, #tpu.memory_space<hbm>> -> memref<1x512xi32, #tpu.memory_space<hbm>>
      %dma_wait3A_580 = tpu.memref_squeeze %dma_wait3A_579 : memref<1x512xi32, #tpu.memory_space<hbm>> -> memref<512xi32, #tpu.memory_space<hbm>>
      %dma_wait3A_581 = tpu.memref_slice %arg2[%select_n3A, %mul3A_32] : memref<4x4096xi32, #tpu.memory_space<hbm>> -> memref<1x512xi32, #tpu.memory_space<hbm>>
      %dma_wait3A_582 = tpu.memref_squeeze %dma_wait3A_581 : memref<1x512xi32, #tpu.memory_space<hbm>> -> memref<512xi32, #tpu.memory_space<hbm>>
      tpu.wait_dma2 semaphore(%run_scoped3A : memref<!tpu.dma_semaphore, #tpu.memory_space<semaphore_mem>>) src(%dma_wait3A_582 : memref<512xi32, #tpu.memory_space<hbm>>) dst(%arg5 : memref<512xi32, #tpu.memory_space<vmem>>)
      tpu.yield
    }) : () -> ()
    %dma_start3A = arith.constant 0 : i32
    %dma_start3A_33 = arith.constant 0 : i32
    %dma_start3A_34 = arith.constant 0 : i32
    %dma_start3A_35 = tpu.memref_slice %arg6[%dma_start3A, %dma_start3A_33, %dma_start3A_34] : memref<6x8x2048xf32, #tpu.memory_space<vmem>> -> memref<1x8x2048xf32, #tpu.memory_space<vmem>>
    %dma_start3A_36 = tpu.memref_squeeze %dma_start3A_35 : memref<1x8x2048xf32, #tpu.memory_space<vmem>> -> memref<8x2048xf32, #tpu.memory_space<vmem>>
    %dma_start3A_37 = arith.constant 0 : i32
    %dma_start3A_38 = tpu.memref_slice %arg5[%dma_start3A_37] : memref<512xi32, #tpu.memory_space<vmem>> -> memref<8xi32, #tpu.memory_space<vmem>>
    %dma_start3A_39 = arith.constant 0 : i32
    %dma_start3A_40 = arith.constant 0 : i32
    %dma_start3A_41 = tpu.memref_slice %arg3[%dma_start3A_39, %dma_start3A_40] : memref<32000x2048xf32, #tpu.memory_space<hbm>> -> memref<32000x2048xf32, #tpu.memory_space<hbm>>
    tpu.enqueue_indirect_dma source(%dma_start3A_41 : memref<32000x2048xf32, #tpu.memory_space<hbm>>) target(%dma_start3A_36 : memref<8x2048xf32, #tpu.memory_space<vmem>>) offsets(%dma_start3A_38 : memref<8xi32, #tpu.memory_space<vmem>>) semaphore(%arg7 : memref<!tpu.dma_semaphore, #tpu.memory_space<semaphore_mem>>)
    %dma_start3A_42 = arith.constant 1 : i32
    %dma_start3A_43 = arith.constant 0 : i32
    %dma_start3A_44 = arith.constant 0 : i32
    %dma_start3A_45 = tpu.memref_slice %arg6[%dma_start3A_42, %dma_start3A_43, %dma_start3A_44] : memref<6x8x2048xf32, #tpu.memory_space<vmem>> -> memref<1x8x2048xf32, #tpu.memory_space<vmem>>
    %dma_start3A_46 = tpu.memref_squeeze %dma_start3A_45 : memref<1x8x2048xf32, #tpu.memory_space<vmem>> -> memref<8x2048xf32, #tpu.memory_space<vmem>>
    %dma_start3A_47 = arith.constant 8 : i32
    %dma_start3A_48 = tpu.memref_slice %arg5[%dma_start3A_47] : memref<512xi32, #tpu.memory_space<vmem>> -> memref<8xi32, #tpu.memory_space<vmem>>
    %dma_start3A_49 = arith.constant 0 : i32
    %dma_start3A_50 = arith.constant 0 : i32
    %dma_start3A_51 = tpu.memref_slice %arg3[%dma_start3A_49, %dma_start3A_50] : memref<32000x2048xf32, #tpu.memory_space<hbm>> -> memref<32000x2048xf32, #tpu.memory_space<hbm>>
    tpu.enqueue_indirect_dma source(%dma_start3A_51 : memref<32000x2048xf32, #tpu.memory_space<hbm>>) target(%dma_start3A_46 : memref<8x2048xf32, #tpu.memory_space<vmem>>) offsets(%dma_start3A_48 : memref<8xi32, #tpu.memory_space<vmem>>) semaphore(%arg8 : memref<!tpu.dma_semaphore, #tpu.memory_space<semaphore_mem>>)
    %dma_wait3A = arith.constant 0 : i32
    %dma_wait3A_52 = arith.constant 0 : i32
    %dma_wait3A_53 = arith.constant 0 : i32
    %dma_wait3A_54 = tpu.memref_slice %arg6[%dma_wait3A, %dma_wait3A_52, %dma_wait3A_53] : memref<6x8x2048xf32, #tpu.memory_space<vmem>> -> memref<1x8x2048xf32, #tpu.memory_space<vmem>>
    %dma_wait3A_55 = tpu.memref_squeeze %dma_wait3A_54 : memref<1x8x2048xf32, #tpu.memory_space<vmem>> -> memref<8x2048xf32, #tpu.memory_space<vmem>>
    %dma_wait3A_56 = arith.constant 0 : i32
    %dma_wait3A_57 = tpu.memref_slice %arg5[%dma_wait3A_56] : memref<512xi32, #tpu.memory_space<vmem>> -> memref<8xi32, #tpu.memory_space<vmem>>
    %dma_wait3A_58 = arith.constant 0 : i32
    %dma_wait3A_59 = arith.constant 0 : i32
    %dma_wait3A_60 = tpu.memref_slice %arg3[%dma_wait3A_58, %dma_wait3A_59] : memref<32000x2048xf32, #tpu.memory_space<hbm>> -> memref<32000x2048xf32, #tpu.memory_space<hbm>>
    tpu.wait_indirect_dma semaphore(%arg7 : memref<!tpu.dma_semaphore, #tpu.memory_space<semaphore_mem>>) src(%dma_wait3A_60 : memref<32000x2048xf32, #tpu.memory_space<hbm>>) dst(%dma_wait3A_55 : memref<8x2048xf32, #tpu.memory_space<vmem>>)
    %add3A_61 = arith.constant 0 : i32
    %add3A_62 = arith.addi %mul3A_32, %add3A_61 : i32
    %dma_start3A_63 = arith.constant 0 : i32
    %dma_start3A_64 = arith.constant 0 : i32
    %dma_start3A_65 = arith.constant 0 : i32
    %dma_start3A_66 = tpu.memref_slice %arg6[%dma_start3A_63, %dma_start3A_64, %dma_start3A_65] : memref<6x8x2048xf32, #tpu.memory_space<vmem>> -> memref<1x8x2048xf32, #tpu.memory_space<vmem>>
    %dma_start3A_67 = tpu.memref_squeeze %dma_start3A_66 : memref<1x8x2048xf32, #tpu.memory_space<vmem>> -> memref<8x2048xf32, #tpu.memory_space<vmem>>
    %dma_start3A_68 = arith.constant 0 : i32
    %dma_start3A_69 = tpu.memref_slice %arg4[%select_n3A, %add3A_62, %dma_start3A_68] : memref<4x4096x2048xf32, #tpu.memory_space<hbm>> -> memref<1x8x2048xf32, #tpu.memory_space<hbm>>
    %dma_start3A_70 = tpu.memref_squeeze %dma_start3A_69 : memref<1x8x2048xf32, #tpu.memory_space<hbm>> -> memref<8x2048xf32, #tpu.memory_space<hbm>>
    %dma_start3A_71 = arith.constant 0 : i32
    %dma_start3A_72 = tpu.memref_slice %arg4[%select_n3A, %add3A_62, %dma_start3A_71] : memref<4x4096x2048xf32, #tpu.memory_space<hbm>> -> memref<1x8x2048xf32, #tpu.memory_space<hbm>>
    %dma_start3A_73 = tpu.memref_squeeze %dma_start3A_72 : memref<1x8x2048xf32, #tpu.memory_space<hbm>> -> memref<8x2048xf32, #tpu.memory_space<hbm>>
    %dma_start3A_74 = arith.constant 0 : i32
    %dma_start3A_75 = arith.constant 0 : i32
    %dma_start3A_76 = tpu.memref_slice %arg6[%dma_start3A_63, %dma_start3A_74, %dma_start3A_75] : memref<6x8x2048xf32, #tpu.memory_space<vmem>> -> memref<1x8x2048xf32, #tpu.memory_space<vmem>>
    %dma_start3A_77 = tpu.memref_squeeze %dma_start3A_76 : memref<1x8x2048xf32, #tpu.memory_space<vmem>> -> memref<8x2048xf32, #tpu.memory_space<vmem>>
    tpu.enqueue_dma source(%dma_start3A_77 : memref<8x2048xf32, #tpu.memory_space<vmem>>) target(%dma_start3A_73 : memref<8x2048xf32, #tpu.memory_space<hbm>>) target_semaphore(%arg13 : memref<!tpu.dma_semaphore, #tpu.memory_space<semaphore_mem>>)
    %dma_start3A_78 = arith.constant 2 : i32
    %dma_start3A_79 = arith.constant 0 : i32
    %dma_start3A_80 = arith.constant 0 : i32
    %dma_start3A_81 = tpu.memref_slice %arg6[%dma_start3A_78, %dma_start3A_79, %dma_start3A_80] : memref<6x8x2048xf32, #tpu.memory_space<vmem>> -> memref<1x8x2048xf32, #tpu.memory_space<vmem>>
    %dma_start3A_82 = tpu.memref_squeeze %dma_start3A_81 : memref<1x8x2048xf32, #tpu.memory_space<vmem>> -> memref<8x2048xf32, #tpu.memory_space<vmem>>
    %dma_start3A_83 = arith.constant 16 : i32
    %dma_start3A_84 = tpu.memref_slice %arg5[%dma_start3A_83] : memref<512xi32, #tpu.memory_space<vmem>> -> memref<8xi32, #tpu.memory_space<vmem>>
    %dma_start3A_85 = arith.constant 0 : i32
    %dma_start3A_86 = arith.constant 0 : i32
    %dma_start3A_87 = tpu.memref_slice %arg3[%dma_start3A_85, %dma_start3A_86] : memref<32000x2048xf32, #tpu.memory_space<hbm>> -> memref<32000x2048xf32, #tpu.memory_space<hbm>>
    tpu.enqueue_indirect_dma source(%dma_start3A_87 : memref<32000x2048xf32, #tpu.memory_space<hbm>>) target(%dma_start3A_82 : memref<8x2048xf32, #tpu.memory_space<vmem>>) offsets(%dma_start3A_84 : memref<8xi32, #tpu.memory_space<vmem>>) semaphore(%arg9 : memref<!tpu.dma_semaphore, #tpu.memory_space<semaphore_mem>>)
    %dma_wait3A_88 = arith.constant 1 : i32
    %dma_wait3A_89 = arith.constant 0 : i32
    %dma_wait3A_90 = arith.constant 0 : i32
    %dma_wait3A_91 = tpu.memref_slice %arg6[%dma_wait3A_88, %dma_wait3A_89, %dma_wait3A_90] : memref<6x8x2048xf32, #tpu.memory_space<vmem>> -> memref<1x8x2048xf32, #tpu.memory_space<vmem>>
    %dma_wait3A_92 = tpu.memref_squeeze %dma_wait3A_91 : memref<1x8x2048xf32, #tpu.memory_space<vmem>> -> memref<8x2048xf32, #tpu.memory_space<vmem>>
    %dma_wait3A_93 = arith.constant 8 : i32
    %dma_wait3A_94 = tpu.memref_slice %arg5[%dma_wait3A_93] : memref<512xi32, #tpu.memory_space<vmem>> -> memref<8xi32, #tpu.memory_space<vmem>>
    %dma_wait3A_95 = arith.constant 0 : i32
    %dma_wait3A_96 = arith.constant 0 : i32
    %dma_wait3A_97 = tpu.memref_slice %arg3[%dma_wait3A_95, %dma_wait3A_96] : memref<32000x2048xf32, #tpu.memory_space<hbm>> -> memref<32000x2048xf32, #tpu.memory_space<hbm>>
    tpu.wait_indirect_dma semaphore(%arg8 : memref<!tpu.dma_semaphore, #tpu.memory_space<semaphore_mem>>) src(%dma_wait3A_97 : memref<32000x2048xf32, #tpu.memory_space<hbm>>) dst(%dma_wait3A_92 : memref<8x2048xf32, #tpu.memory_space<vmem>>)
    %add3A_98 = arith.constant 8 : i32
    %add3A_99 = arith.addi %mul3A_32, %add3A_98 : i32
    %dma_start3A_100 = arith.constant 1 : i32
    %dma_start3A_101 = arith.constant 0 : i32
    %dma_start3A_102 = arith.constant 0 : i32
    %dma_start3A_103 = tpu.memref_slice %arg6[%dma_start3A_100, %dma_start3A_101, %dma_start3A_102] : memref<6x8x2048xf32, #tpu.memory_space<vmem>> -> memref<1x8x2048xf32, #tpu.memory_space<vmem>>
    %dma_start3A_104 = tpu.memref_squeeze %dma_start3A_103 : memref<1x8x2048xf32, #tpu.memory_space<vmem>> -> memref<8x2048xf32, #tpu.memory_space<vmem>>
    %dma_start3A_105 = arith.constant 0 : i32
    %dma_start3A_106 = tpu.memref_slice %arg4[%select_n3A, %add3A_99, %dma_start3A_105] : memref<4x4096x2048xf32, #tpu.memory_space<hbm>> -> memref<1x8x2048xf32, #tpu.memory_space<hbm>>
    %dma_start3A_107 = tpu.memref_squeeze %dma_start3A_106 : memref<1x8x2048xf32, #tpu.memory_space<hbm>> -> memref<8x2048xf32, #tpu.memory_space<hbm>>
    %dma_start3A_108 = arith.constant 0 : i32
    %dma_start3A_109 = tpu.memref_slice %arg4[%select_n3A, %add3A_99, %dma_start3A_108] : memref<4x4096x2048xf32, #tpu.memory_space<hbm>> -> memref<1x8x2048xf32, #tpu.memory_space<hbm>>
    %dma_start3A_110 = tpu.memref_squeeze %dma_start3A_109 : memref<1x8x2048xf32, #tpu.memory_space<hbm>> -> memref<8x2048xf32, #tpu.memory_space<hbm>>
    %dma_start3A_111 = arith.constant 0 : i32
    %dma_start3A_112 = arith.constant 0 : i32
    %dma_start3A_113 = tpu.memref_slice %arg6[%dma_start3A_100, %dma_start3A_111, %dma_start3A_112] : memref<6x8x2048xf32, #tpu.memory_space<vmem>> -> memref<1x8x2048xf32, #tpu.memory_space<vmem>>
    %dma_start3A_114 = tpu.memref_squeeze %dma_start3A_113 : memref<1x8x2048xf32, #tpu.memory_space<vmem>> -> memref<8x2048xf32, #tpu.memory_space<vmem>>
    tpu.enqueue_dma source(%dma_start3A_114 : memref<8x2048xf32, #tpu.memory_space<vmem>>) target(%dma_start3A_110 : memref<8x2048xf32, #tpu.memory_space<hbm>>) target_semaphore(%arg14 : memref<!tpu.dma_semaphore, #tpu.memory_space<semaphore_mem>>)
    %dma_start3A_115 = arith.constant 3 : i32
    %dma_start3A_116 = arith.constant 0 : i32
    %dma_start3A_117 = arith.constant 0 : i32
    %dma_start3A_118 = tpu.memref_slice %arg6[%dma_start3A_115, %dma_start3A_116, %dma_start3A_117] : memref<6x8x2048xf32, #tpu.memory_space<vmem>> -> memref<1x8x2048xf32, #tpu.memory_space<vmem>>
    %dma_start3A_119 = tpu.memref_squeeze %dma_start3A_118 : memref<1x8x2048xf32, #tpu.memory_space<vmem>> -> memref<8x2048xf32, #tpu.memory_space<vmem>>
    %dma_start3A_120 = arith.constant 24 : i32
    %dma_start3A_121 = tpu.memref_slice %arg5[%dma_start3A_120] : memref<512xi32, #tpu.memory_space<vmem>> -> memref<8xi32, #tpu.memory_space<vmem>>
    %dma_start3A_122 = arith.constant 0 : i32
    %dma_start3A_123 = arith.constant 0 : i32
    %dma_start3A_124 = tpu.memref_slice %arg3[%dma_start3A_122, %dma_start3A_123] : memref<32000x2048xf32, #tpu.memory_space<hbm>> -> memref<32000x2048xf32, #tpu.memory_space<hbm>>
    tpu.enqueue_indirect_dma source(%dma_start3A_124 : memref<32000x2048xf32, #tpu.memory_space<hbm>>) target(%dma_start3A_119 : memref<8x2048xf32, #tpu.memory_space<vmem>>) offsets(%dma_start3A_121 : memref<8xi32, #tpu.memory_space<vmem>>) semaphore(%arg10 : memref<!tpu.dma_semaphore, #tpu.memory_space<semaphore_mem>>)
    %dma_wait3A_125 = arith.constant 2 : i32
    %dma_wait3A_126 = arith.constant 0 : i32
    %dma_wait3A_127 = arith.constant 0 : i32
    %dma_wait3A_128 = tpu.memref_slice %arg6[%dma_wait3A_125, %dma_wait3A_126, %dma_wait3A_127] : memref<6x8x2048xf32, #tpu.memory_space<vmem>> -> memref<1x8x2048xf32, #tpu.memory_space<vmem>>
    %dma_wait3A_129 = tpu.memref_squeeze %dma_wait3A_128 : memref<1x8x2048xf32, #tpu.memory_space<vmem>> -> memref<8x2048xf32, #tpu.memory_space<vmem>>
    %dma_wait3A_130 = arith.constant 16 : i32
    %dma_wait3A_131 = tpu.memref_slice %arg5[%dma_wait3A_130] : memref<512xi32, #tpu.memory_space<vmem>> -> memref<8xi32, #tpu.memory_space<vmem>>
    %dma_wait3A_132 = arith.constant 0 : i32
    %dma_wait3A_133 = arith.constant 0 : i32
    %dma_wait3A_134 = tpu.memref_slice %arg3[%dma_wait3A_132, %dma_wait3A_133] : memref<32000x2048xf32, #tpu.memory_space<hbm>> -> memref<32000x2048xf32, #tpu.memory_space<hbm>>
    tpu.wait_indirect_dma semaphore(%arg9 : memref<!tpu.dma_semaphore, #tpu.memory_space<semaphore_mem>>) src(%dma_wait3A_134 : memref<32000x2048xf32, #tpu.memory_space<hbm>>) dst(%dma_wait3A_129 : memref<8x2048xf32, #tpu.memory_space<vmem>>)
    %add3A_135 = arith.constant 16 : i32
    %add3A_136 = arith.addi %mul3A_32, %add3A_135 : i32
    %dma_start3A_137 = arith.constant 2 : i32
    %dma_start3A_138 = arith.constant 0 : i32
    %dma_start3A_139 = arith.constant 0 : i32
    %dma_start3A_140 = tpu.memref_slice %arg6[%dma_start3A_137, %dma_start3A_138, %dma_start3A_139] : memref<6x8x2048xf32, #tpu.memory_space<vmem>> -> memref<1x8x2048xf32, #tpu.memory_space<vmem>>
    %dma_start3A_141 = tpu.memref_squeeze %dma_start3A_140 : memref<1x8x2048xf32, #tpu.memory_space<vmem>> -> memref<8x2048xf32, #tpu.memory_space<vmem>>
    %dma_start3A_142 = arith.constant 0 : i32
    %dma_start3A_143 = tpu.memref_slice %arg4[%select_n3A, %add3A_136, %dma_start3A_142] : memref<4x4096x2048xf32, #tpu.memory_space<hbm>> -> memref<1x8x2048xf32, #tpu.memory_space<hbm>>
    %dma_start3A_144 = tpu.memref_squeeze %dma_start3A_143 : memref<1x8x2048xf32, #tpu.memory_space<hbm>> -> memref<8x2048xf32, #tpu.memory_space<hbm>>
    %dma_start3A_145 = arith.constant 0 : i32
    %dma_start3A_146 = tpu.memref_slice %arg4[%select_n3A, %add3A_136, %dma_start3A_145] : memref<4x4096x2048xf32, #tpu.memory_space<hbm>> -> memref<1x8x2048xf32, #tpu.memory_space<hbm>>
    %dma_start3A_147 = tpu.memref_squeeze %dma_start3A_146 : memref<1x8x2048xf32, #tpu.memory_space<hbm>> -> memref<8x2048xf32, #tpu.memory_space<hbm>>
    %dma_start3A_148 = arith.constant 0 : i32
    %dma_start3A_149 = arith.constant 0 : i32
    %dma_start3A_150 = tpu.memref_slice %arg6[%dma_start3A_137, %dma_start3A_148, %dma_start3A_149] : memref<6x8x2048xf32, #tpu.memory_space<vmem>> -> memref<1x8x2048xf32, #tpu.memory_space<vmem>>
    %dma_start3A_151 = tpu.memref_squeeze %dma_start3A_150 : memref<1x8x2048xf32, #tpu.memory_space<vmem>> -> memref<8x2048xf32, #tpu.memory_space<vmem>>
    tpu.enqueue_dma source(%dma_start3A_151 : memref<8x2048xf32, #tpu.memory_space<vmem>>) target(%dma_start3A_147 : memref<8x2048xf32, #tpu.memory_space<hbm>>) target_semaphore(%arg15 : memref<!tpu.dma_semaphore, #tpu.memory_space<semaphore_mem>>)
    %dma_start3A_152 = arith.constant 4 : i32
    %dma_start3A_153 = arith.constant 0 : i32
    %dma_start3A_154 = arith.constant 0 : i32
    %dma_start3A_155 = tpu.memref_slice %arg6[%dma_start3A_152, %dma_start3A_153, %dma_start3A_154] : memref<6x8x2048xf32, #tpu.memory_space<vmem>> -> memref<1x8x2048xf32, #tpu.memory_space<vmem>>
    %dma_start3A_156 = tpu.memref_squeeze %dma_start3A_155 : memref<1x8x2048xf32, #tpu.memory_space<vmem>> -> memref<8x2048xf32, #tpu.memory_space<vmem>>
    %dma_start3A_157 = arith.constant 32 : i32
    %dma_start3A_158 = tpu.memref_slice %arg5[%dma_start3A_157] : memref<512xi32, #tpu.memory_space<vmem>> -> memref<8xi32, #tpu.memory_space<vmem>>
    %dma_start3A_159 = arith.constant 0 : i32
    %dma_start3A_160 = arith.constant 0 : i32
    %dma_start3A_161 = tpu.memref_slice %arg3[%dma_start3A_159, %dma_start3A_160] : memref<32000x2048xf32, #tpu.memory_space<hbm>> -> memref<32000x2048xf32, #tpu.memory_space<hbm>>
    tpu.enqueue_indirect_dma source(%dma_start3A_161 : memref<32000x2048xf32, #tpu.memory_space<hbm>>) target(%dma_start3A_156 : memref<8x2048xf32, #tpu.memory_space<vmem>>) offsets(%dma_start3A_158 : memref<8xi32, #tpu.memory_space<vmem>>) semaphore(%arg11 : memref<!tpu.dma_semaphore, #tpu.memory_space<semaphore_mem>>)
    %dma_wait3A_162 = arith.constant 3 : i32
    %dma_wait3A_163 = arith.constant 0 : i32
    %dma_wait3A_164 = arith.constant 0 : i32
    %dma_wait3A_165 = tpu.memref_slice %arg6[%dma_wait3A_162, %dma_wait3A_163, %dma_wait3A_164] : memref<6x8x2048xf32, #tpu.memory_space<vmem>> -> memref<1x8x2048xf32, #tpu.memory_space<vmem>>
    %dma_wait3A_166 = tpu.memref_squeeze %dma_wait3A_165 : memref<1x8x2048xf32, #tpu.memory_space<vmem>> -> memref<8x2048xf32, #tpu.memory_space<vmem>>
    %dma_wait3A_167 = arith.constant 24 : i32
    %dma_wait3A_168 = tpu.memref_slice %arg5[%dma_wait3A_167] : memref<512xi32, #tpu.memory_space<vmem>> -> memref<8xi32, #tpu.memory_space<vmem>>
    %dma_wait3A_169 = arith.constant 0 : i32
    %dma_wait3A_170 = arith.constant 0 : i32
    %dma_wait3A_171 = tpu.memref_slice %arg3[%dma_wait3A_169, %dma_wait3A_170] : memref<32000x2048xf32, #tpu.memory_space<hbm>> -> memref<32000x2048xf32, #tpu.memory_space<hbm>>
    tpu.wait_indirect_dma semaphore(%arg10 : memref<!tpu.dma_semaphore, #tpu.memory_space<semaphore_mem>>) src(%dma_wait3A_171 : memref<32000x2048xf32, #tpu.memory_space<hbm>>) dst(%dma_wait3A_166 : memref<8x2048xf32, #tpu.memory_space<vmem>>)
    %add3A_172 = arith.constant 24 : i32
    %add3A_173 = arith.addi %mul3A_32, %add3A_172 : i32
    %dma_start3A_174 = arith.constant 3 : i32
    %dma_start3A_175 = arith.constant 0 : i32
    %dma_start3A_176 = arith.constant 0 : i32
    %dma_start3A_177 = tpu.memref_slice %arg6[%dma_start3A_174, %dma_start3A_175, %dma_start3A_176] : memref<6x8x2048xf32, #tpu.memory_space<vmem>> -> memref<1x8x2048xf32, #tpu.memory_space<vmem>>
    %dma_start3A_178 = tpu.memref_squeeze %dma_start3A_177 : memref<1x8x2048xf32, #tpu.memory_space<vmem>> -> memref<8x2048xf32, #tpu.memory_space<vmem>>
    %dma_start3A_179 = arith.constant 0 : i32
    %dma_start3A_180 = tpu.memref_slice %arg4[%select_n3A, %add3A_173, %dma_start3A_179] : memref<4x4096x2048xf32, #tpu.memory_space<hbm>> -> memref<1x8x2048xf32, #tpu.memory_space<hbm>>
    %dma_start3A_181 = tpu.memref_squeeze %dma_start3A_180 : memref<1x8x2048xf32, #tpu.memory_space<hbm>> -> memref<8x2048xf32, #tpu.memory_space<hbm>>
    %dma_start3A_182 = arith.constant 0 : i32
    %dma_start3A_183 = tpu.memref_slice %arg4[%select_n3A, %add3A_173, %dma_start3A_182] : memref<4x4096x2048xf32, #tpu.memory_space<hbm>> -> memref<1x8x2048xf32, #tpu.memory_space<hbm>>
    %dma_start3A_184 = tpu.memref_squeeze %dma_start3A_183 : memref<1x8x2048xf32, #tpu.memory_space<hbm>> -> memref<8x2048xf32, #tpu.memory_space<hbm>>
    %dma_start3A_185 = arith.constant 0 : i32
    %dma_start3A_186 = arith.constant 0 : i32
    %dma_start3A_187 = tpu.memref_slice %arg6[%dma_start3A_174, %dma_start3A_185, %dma_start3A_186] : memref<6x8x2048xf32, #tpu.memory_space<vmem>> -> memref<1x8x2048xf32, #tpu.memory_space<vmem>>
    %dma_start3A_188 = tpu.memref_squeeze %dma_start3A_187 : memref<1x8x2048xf32, #tpu.memory_space<vmem>> -> memref<8x2048xf32, #tpu.memory_space<vmem>>
    tpu.enqueue_dma source(%dma_start3A_188 : memref<8x2048xf32, #tpu.memory_space<vmem>>) target(%dma_start3A_184 : memref<8x2048xf32, #tpu.memory_space<hbm>>) target_semaphore(%arg16 : memref<!tpu.dma_semaphore, #tpu.memory_space<semaphore_mem>>)
    %dma_start3A_189 = arith.constant 5 : i32
    %dma_start3A_190 = arith.constant 0 : i32
    %dma_start3A_191 = arith.constant 0 : i32
    %dma_start3A_192 = tpu.memref_slice %arg6[%dma_start3A_189, %dma_start3A_190, %dma_start3A_191] : memref<6x8x2048xf32, #tpu.memory_space<vmem>> -> memref<1x8x2048xf32, #tpu.memory_space<vmem>>
    %dma_start3A_193 = tpu.memref_squeeze %dma_start3A_192 : memref<1x8x2048xf32, #tpu.memory_space<vmem>> -> memref<8x2048xf32, #tpu.memory_space<vmem>>
    %dma_start3A_194 = arith.constant 40 : i32
    %dma_start3A_195 = tpu.memref_slice %arg5[%dma_start3A_194] : memref<512xi32, #tpu.memory_space<vmem>> -> memref<8xi32, #tpu.memory_space<vmem>>
    %dma_start3A_196 = arith.constant 0 : i32
    %dma_start3A_197 = arith.constant 0 : i32
    %dma_start3A_198 = tpu.memref_slice %arg3[%dma_start3A_196, %dma_start3A_197] : memref<32000x2048xf32, #tpu.memory_space<hbm>> -> memref<32000x2048xf32, #tpu.memory_space<hbm>>
    tpu.enqueue_indirect_dma source(%dma_start3A_198 : memref<32000x2048xf32, #tpu.memory_space<hbm>>) target(%dma_start3A_193 : memref<8x2048xf32, #tpu.memory_space<vmem>>) offsets(%dma_start3A_195 : memref<8xi32, #tpu.memory_space<vmem>>) semaphore(%arg12 : memref<!tpu.dma_semaphore, #tpu.memory_space<semaphore_mem>>)
    %scan3A = arith.constant 0 : i32
    %scan3A_199 = arith.constant 9 : i32
    %scan3A_200 = arith.addi %scan3A, %scan3A_199 : i32
    %scan3A_201 = arith.constant 1 : i32
    scf.for %scan3A_575 = %scan3A to %scan3A_200 step %scan3A_201  : i32 {
      %mul3A_576 = arith.constant 6 : i32
      %mul3A_577 = arith.muli %scan3A_575, %mul3A_576 : i32
      %add3A_578 = arith.constant 4 : i32
      %add3A_579 = arith.addi %add3A_578, %mul3A_577 : i32
      %add3A_580 = arith.constant 0 : i32
      %add3A_581 = arith.addi %add3A_579, %add3A_580 : i32
      %mul3A_582 = arith.constant 8 : i32
      %mul3A_583 = arith.muli %add3A_581, %mul3A_582 : i32
      %dma_wait3A_584 = arith.constant 4 : i32
      %dma_wait3A_585 = arith.constant 0 : i32
      %dma_wait3A_586 = arith.constant 0 : i32
      %dma_wait3A_587 = tpu.memref_slice %arg6[%dma_wait3A_584, %dma_wait3A_585, %dma_wait3A_586] : memref<6x8x2048xf32, #tpu.memory_space<vmem>> -> memref<1x8x2048xf32, #tpu.memory_space<vmem>>
      %dma_wait3A_588 = tpu.memref_squeeze %dma_wait3A_587 : memref<1x8x2048xf32, #tpu.memory_space<vmem>> -> memref<8x2048xf32, #tpu.memory_space<vmem>>
      %dma_wait3A_589 = tpu.memref_slice %arg5[%mul3A_583] : memref<512xi32, #tpu.memory_space<vmem>> -> memref<8xi32, #tpu.memory_space<vmem>>
      %dma_wait3A_590 = arith.constant 0 : i32
      %dma_wait3A_591 = arith.constant 0 : i32
      %dma_wait3A_592 = tpu.memref_slice %arg3[%dma_wait3A_590, %dma_wait3A_591] : memref<32000x2048xf32, #tpu.memory_space<hbm>> -> memref<32000x2048xf32, #tpu.memory_space<hbm>>
      tpu.wait_indirect_dma semaphore(%arg11 : memref<!tpu.dma_semaphore, #tpu.memory_space<semaphore_mem>>) src(%dma_wait3A_592 : memref<32000x2048xf32, #tpu.memory_space<hbm>>) dst(%dma_wait3A_588 : memref<8x2048xf32, #tpu.memory_space<vmem>>)
      %mul3A_593 = arith.constant 8 : i32
      %mul3A_594 = arith.muli %add3A_581, %mul3A_593 : i32
      %add3A_595 = arith.addi %mul3A_32, %mul3A_594 : i32
      %dma_start3A_596 = arith.constant 4 : i32
      %dma_start3A_597 = arith.constant 0 : i32
      %dma_start3A_598 = arith.constant 0 : i32
      %dma_start3A_599 = tpu.memref_slice %arg6[%dma_start3A_596, %dma_start3A_597, %dma_start3A_598] : memref<6x8x2048xf32, #tpu.memory_space<vmem>> -> memref<1x8x2048xf32, #tpu.memory_space<vmem>>
      %dma_start3A_600 = tpu.memref_squeeze %dma_start3A_599 : memref<1x8x2048xf32, #tpu.memory_space<vmem>> -> memref<8x2048xf32, #tpu.memory_space<vmem>>
      %dma_start3A_601 = arith.constant 0 : i32
      %dma_start3A_602 = tpu.memref_slice %arg4[%select_n3A, %add3A_595, %dma_start3A_601] : memref<4x4096x2048xf32, #tpu.memory_space<hbm>> -> memref<1x8x2048xf32, #tpu.memory_space<hbm>>
      %dma_start3A_603 = tpu.memref_squeeze %dma_start3A_602 : memref<1x8x2048xf32, #tpu.memory_space<hbm>> -> memref<8x2048xf32, #tpu.memory_space<hbm>>
      %dma_start3A_604 = arith.constant 0 : i32
      %dma_start3A_605 = tpu.memref_slice %arg4[%select_n3A, %add3A_595, %dma_start3A_604] : memref<4x4096x2048xf32, #tpu.memory_space<hbm>> -> memref<1x8x2048xf32, #tpu.memory_space<hbm>>
      %dma_start3A_606 = tpu.memref_squeeze %dma_start3A_605 : memref<1x8x2048xf32, #tpu.memory_space<hbm>> -> memref<8x2048xf32, #tpu.memory_space<hbm>>
      %dma_start3A_607 = arith.constant 0 : i32
      %dma_start3A_608 = arith.constant 0 : i32
      %dma_start3A_609 = tpu.memref_slice %arg6[%dma_start3A_596, %dma_start3A_607, %dma_start3A_608] : memref<6x8x2048xf32, #tpu.memory_space<vmem>> -> memref<1x8x2048xf32, #tpu.memory_space<vmem>>
      %dma_start3A_610 = tpu.memref_squeeze %dma_start3A_609 : memref<1x8x2048xf32, #tpu.memory_space<vmem>> -> memref<8x2048xf32, #tpu.memory_space<vmem>>
      tpu.enqueue_dma source(%dma_start3A_610 : memref<8x2048xf32, #tpu.memory_space<vmem>>) target(%dma_start3A_606 : memref<8x2048xf32, #tpu.memory_space<hbm>>) target_semaphore(%arg17 : memref<!tpu.dma_semaphore, #tpu.memory_space<semaphore_mem>>)
      %sub3A_611 = arith.constant 4 : i32
      %sub3A_612 = arith.subi %add3A_581, %sub3A_611 : i32
      %mul3A_613 = arith.constant 8 : i32
      %mul3A_614 = arith.muli %sub3A_612, %mul3A_613 : i32
      %add3A_615 = arith.addi %mul3A_32, %mul3A_614 : i32
      %dma_wait3A_616 = arith.constant 0 : i32
      %dma_wait3A_617 = arith.constant 0 : i32
      %dma_wait3A_618 = arith.constant 0 : i32
      %dma_wait3A_619 = tpu.memref_slice %arg6[%dma_wait3A_616, %dma_wait3A_617, %dma_wait3A_618] : memref<6x8x2048xf32, #tpu.memory_space<vmem>> -> memref<1x8x2048xf32, #tpu.memory_space<vmem>>
      %dma_wait3A_620 = tpu.memref_squeeze %dma_wait3A_619 : memref<1x8x2048xf32, #tpu.memory_space<vmem>> -> memref<8x2048xf32, #tpu.memory_space<vmem>>
      %dma_wait3A_621 = arith.constant 0 : i32
      %dma_wait3A_622 = tpu.memref_slice %arg4[%select_n3A, %add3A_615, %dma_wait3A_621] : memref<4x4096x2048xf32, #tpu.memory_space<hbm>> -> memref<1x8x2048xf32, #tpu.memory_space<hbm>>
      %dma_wait3A_623 = tpu.memref_squeeze %dma_wait3A_622 : memref<1x8x2048xf32, #tpu.memory_space<hbm>> -> memref<8x2048xf32, #tpu.memory_space<hbm>>
      %dma_wait3A_624 = arith.constant 0 : i32
      %dma_wait3A_625 = tpu.memref_slice %arg4[%select_n3A, %add3A_615, %dma_wait3A_624] : memref<4x4096x2048xf32, #tpu.memory_space<hbm>> -> memref<1x8x2048xf32, #tpu.memory_space<hbm>>
      %dma_wait3A_626 = tpu.memref_squeeze %dma_wait3A_625 : memref<1x8x2048xf32, #tpu.memory_space<hbm>> -> memref<8x2048xf32, #tpu.memory_space<hbm>>
      %dma_wait3A_627 = arith.constant 0 : i32
      %dma_wait3A_628 = arith.constant 0 : i32
      %dma_wait3A_629 = tpu.memref_slice %arg6[%dma_wait3A_616, %dma_wait3A_627, %dma_wait3A_628] : memref<6x8x2048xf32, #tpu.memory_space<vmem>> -> memref<1x8x2048xf32, #tpu.memory_space<vmem>>
      %dma_wait3A_630 = tpu.memref_squeeze %dma_wait3A_629 : memref<1x8x2048xf32, #tpu.memory_space<vmem>> -> memref<8x2048xf32, #tpu.memory_space<vmem>>
      tpu.wait_dma2 semaphore(%arg13 : memref<!tpu.dma_semaphore, #tpu.memory_space<semaphore_mem>>) src(%dma_wait3A_630 : memref<8x2048xf32, #tpu.memory_space<vmem>>) dst(%dma_wait3A_626 : memref<8x2048xf32, #tpu.memory_space<hbm>>)
      %add3A_631 = arith.constant 2 : i32
      %add3A_632 = arith.addi %add3A_581, %add3A_631 : i32
      %mul3A_633 = arith.constant 8 : i32
      %mul3A_634 = arith.muli %add3A_632, %mul3A_633 : i32
      %dma_start3A_635 = arith.constant 0 : i32
      %dma_start3A_636 = arith.constant 0 : i32
      %dma_start3A_637 = arith.constant 0 : i32
      %dma_start3A_638 = tpu.memref_slice %arg6[%dma_start3A_635, %dma_start3A_636, %dma_start3A_637] : memref<6x8x2048xf32, #tpu.memory_space<vmem>> -> memref<1x8x2048xf32, #tpu.memory_space<vmem>>
      %dma_start3A_639 = tpu.memref_squeeze %dma_start3A_638 : memref<1x8x2048xf32, #tpu.memory_space<vmem>> -> memref<8x2048xf32, #tpu.memory_space<vmem>>
      %dma_start3A_640 = tpu.memref_slice %arg5[%mul3A_634] : memref<512xi32, #tpu.memory_space<vmem>> -> memref<8xi32, #tpu.memory_space<vmem>>
      %dma_start3A_641 = arith.constant 0 : i32
      %dma_start3A_642 = arith.constant 0 : i32
      %dma_start3A_643 = tpu.memref_slice %arg3[%dma_start3A_641, %dma_start3A_642] : memref<32000x2048xf32, #tpu.memory_space<hbm>> -> memref<32000x2048xf32, #tpu.memory_space<hbm>>
      tpu.enqueue_indirect_dma source(%dma_start3A_643 : memref<32000x2048xf32, #tpu.memory_space<hbm>>) target(%dma_start3A_639 : memref<8x2048xf32, #tpu.memory_space<vmem>>) offsets(%dma_start3A_640 : memref<8xi32, #tpu.memory_space<vmem>>) semaphore(%arg7 : memref<!tpu.dma_semaphore, #tpu.memory_space<semaphore_mem>>)
      %add3A_644 = arith.constant 1 : i32
      %add3A_645 = arith.addi %add3A_579, %add3A_644 : i32
      %mul3A_646 = arith.constant 8 : i32
      %mul3A_647 = arith.muli %add3A_645, %mul3A_646 : i32
      %dma_wait3A_648 = arith.constant 5 : i32
      %dma_wait3A_649 = arith.constant 0 : i32
      %dma_wait3A_650 = arith.constant 0 : i32
      %dma_wait3A_651 = tpu.memref_slice %arg6[%dma_wait3A_648, %dma_wait3A_649, %dma_wait3A_650] : memref<6x8x2048xf32, #tpu.memory_space<vmem>> -> memref<1x8x2048xf32, #tpu.memory_space<vmem>>
      %dma_wait3A_652 = tpu.memref_squeeze %dma_wait3A_651 : memref<1x8x2048xf32, #tpu.memory_space<vmem>> -> memref<8x2048xf32, #tpu.memory_space<vmem>>
      %dma_wait3A_653 = tpu.memref_slice %arg5[%mul3A_647] : memref<512xi32, #tpu.memory_space<vmem>> -> memref<8xi32, #tpu.memory_space<vmem>>
      %dma_wait3A_654 = arith.constant 0 : i32
      %dma_wait3A_655 = arith.constant 0 : i32
      %dma_wait3A_656 = tpu.memref_slice %arg3[%dma_wait3A_654, %dma_wait3A_655] : memref<32000x2048xf32, #tpu.memory_space<hbm>> -> memref<32000x2048xf32, #tpu.memory_space<hbm>>
      tpu.wait_indirect_dma semaphore(%arg12 : memref<!tpu.dma_semaphore, #tpu.memory_space<semaphore_mem>>) src(%dma_wait3A_656 : memref<32000x2048xf32, #tpu.memory_space<hbm>>) dst(%dma_wait3A_652 : memref<8x2048xf32, #tpu.memory_space<vmem>>)
      %mul3A_657 = arith.constant 8 : i32
      %mul3A_658 = arith.muli %add3A_645, %mul3A_657 : i32
      %add3A_659 = arith.addi %mul3A_32, %mul3A_658 : i32
      %dma_start3A_660 = arith.constant 5 : i32
      %dma_start3A_661 = arith.constant 0 : i32
      %dma_start3A_662 = arith.constant 0 : i32
      %dma_start3A_663 = tpu.memref_slice %arg6[%dma_start3A_660, %dma_start3A_661, %dma_start3A_662] : memref<6x8x2048xf32, #tpu.memory_space<vmem>> -> memref<1x8x2048xf32, #tpu.memory_space<vmem>>
      %dma_start3A_664 = tpu.memref_squeeze %dma_start3A_663 : memref<1x8x2048xf32, #tpu.memory_space<vmem>> -> memref<8x2048xf32, #tpu.memory_space<vmem>>
      %dma_start3A_665 = arith.constant 0 : i32
      %dma_start3A_666 = tpu.memref_slice %arg4[%select_n3A, %add3A_659, %dma_start3A_665] : memref<4x4096x2048xf32, #tpu.memory_space<hbm>> -> memref<1x8x2048xf32, #tpu.memory_space<hbm>>
      %dma_start3A_667 = tpu.memref_squeeze %dma_start3A_666 : memref<1x8x2048xf32, #tpu.memory_space<hbm>> -> memref<8x2048xf32, #tpu.memory_space<hbm>>
      %dma_start3A_668 = arith.constant 0 : i32
      %dma_start3A_669 = tpu.memref_slice %arg4[%select_n3A, %add3A_659, %dma_start3A_668] : memref<4x4096x2048xf32, #tpu.memory_space<hbm>> -> memref<1x8x2048xf32, #tpu.memory_space<hbm>>
      %dma_start3A_670 = tpu.memref_squeeze %dma_start3A_669 : memref<1x8x2048xf32, #tpu.memory_space<hbm>> -> memref<8x2048xf32, #tpu.memory_space<hbm>>
      %dma_start3A_671 = arith.constant 0 : i32
      %dma_start3A_672 = arith.constant 0 : i32
      %dma_start3A_673 = tpu.memref_slice %arg6[%dma_start3A_660, %dma_start3A_671, %dma_start3A_672] : memref<6x8x2048xf32, #tpu.memory_space<vmem>> -> memref<1x8x2048xf32, #tpu.memory_space<vmem>>
      %dma_start3A_674 = tpu.memref_squeeze %dma_start3A_673 : memref<1x8x2048xf32, #tpu.memory_space<vmem>> -> memref<8x2048xf32, #tpu.memory_space<vmem>>
      tpu.enqueue_dma source(%dma_start3A_674 : memref<8x2048xf32, #tpu.memory_space<vmem>>) target(%dma_start3A_670 : memref<8x2048xf32, #tpu.memory_space<hbm>>) target_semaphore(%arg18 : memref<!tpu.dma_semaphore, #tpu.memory_space<semaphore_mem>>)
      %sub3A_675 = arith.constant 4 : i32
      %sub3A_676 = arith.subi %add3A_645, %sub3A_675 : i32
      %mul3A_677 = arith.constant 8 : i32
      %mul3A_678 = arith.muli %sub3A_676, %mul3A_677 : i32
      %add3A_679 = arith.addi %mul3A_32, %mul3A_678 : i32
      %dma_wait3A_680 = arith.constant 1 : i32
      %dma_wait3A_681 = arith.constant 0 : i32
      %dma_wait3A_682 = arith.constant 0 : i32
      %dma_wait3A_683 = tpu.memref_slice %arg6[%dma_wait3A_680, %dma_wait3A_681, %dma_wait3A_682] : memref<6x8x2048xf32, #tpu.memory_space<vmem>> -> memref<1x8x2048xf32, #tpu.memory_space<vmem>>
      %dma_wait3A_684 = tpu.memref_squeeze %dma_wait3A_683 : memref<1x8x2048xf32, #tpu.memory_space<vmem>> -> memref<8x2048xf32, #tpu.memory_space<vmem>>
      %dma_wait3A_685 = arith.constant 0 : i32
      %dma_wait3A_686 = tpu.memref_slice %arg4[%select_n3A, %add3A_679, %dma_wait3A_685] : memref<4x4096x2048xf32, #tpu.memory_space<hbm>> -> memref<1x8x2048xf32, #tpu.memory_space<hbm>>
      %dma_wait3A_687 = tpu.memref_squeeze %dma_wait3A_686 : memref<1x8x2048xf32, #tpu.memory_space<hbm>> -> memref<8x2048xf32, #tpu.memory_space<hbm>>
      %dma_wait3A_688 = arith.constant 0 : i32
      %dma_wait3A_689 = tpu.memref_slice %arg4[%select_n3A, %add3A_679, %dma_wait3A_688] : memref<4x4096x2048xf32, #tpu.memory_space<hbm>> -> memref<1x8x2048xf32, #tpu.memory_space<hbm>>
      %dma_wait3A_690 = tpu.memref_squeeze %dma_wait3A_689 : memref<1x8x2048xf32, #tpu.memory_space<hbm>> -> memref<8x2048xf32, #tpu.memory_space<hbm>>
      %dma_wait3A_691 = arith.constant 0 : i32
      %dma_wait3A_692 = arith.constant 0 : i32
      %dma_wait3A_693 = tpu.memref_slice %arg6[%dma_wait3A_680, %dma_wait3A_691, %dma_wait3A_692] : memref<6x8x2048xf32, #tpu.memory_space<vmem>> -> memref<1x8x2048xf32, #tpu.memory_space<vmem>>
      %dma_wait3A_694 = tpu.memref_squeeze %dma_wait3A_693 : memref<1x8x2048xf32, #tpu.memory_space<vmem>> -> memref<8x2048xf32, #tpu.memory_space<vmem>>
      tpu.wait_dma2 semaphore(%arg14 : memref<!tpu.dma_semaphore, #tpu.memory_space<semaphore_mem>>) src(%dma_wait3A_694 : memref<8x2048xf32, #tpu.memory_space<vmem>>) dst(%dma_wait3A_690 : memref<8x2048xf32, #tpu.memory_space<hbm>>)
      %add3A_695 = arith.constant 2 : i32
      %add3A_696 = arith.addi %add3A_645, %add3A_695 : i32
      %mul3A_697 = arith.constant 8 : i32
      %mul3A_698 = arith.muli %add3A_696, %mul3A_697 : i32
      %dma_start3A_699 = arith.constant 1 : i32
      %dma_start3A_700 = arith.constant 0 : i32
      %dma_start3A_701 = arith.constant 0 : i32
      %dma_start3A_702 = tpu.memref_slice %arg6[%dma_start3A_699, %dma_start3A_700, %dma_start3A_701] : memref<6x8x2048xf32, #tpu.memory_space<vmem>> -> memref<1x8x2048xf32, #tpu.memory_space<vmem>>
      %dma_start3A_703 = tpu.memref_squeeze %dma_start3A_702 : memref<1x8x2048xf32, #tpu.memory_space<vmem>> -> memref<8x2048xf32, #tpu.memory_space<vmem>>
      %dma_start3A_704 = tpu.memref_slice %arg5[%mul3A_698] : memref<512xi32, #tpu.memory_space<vmem>> -> memref<8xi32, #tpu.memory_space<vmem>>
      %dma_start3A_705 = arith.constant 0 : i32
      %dma_start3A_706 = arith.constant 0 : i32
      %dma_start3A_707 = tpu.memref_slice %arg3[%dma_start3A_705, %dma_start3A_706] : memref<32000x2048xf32, #tpu.memory_space<hbm>> -> memref<32000x2048xf32, #tpu.memory_space<hbm>>
      tpu.enqueue_indirect_dma source(%dma_start3A_707 : memref<32000x2048xf32, #tpu.memory_space<hbm>>) target(%dma_start3A_703 : memref<8x2048xf32, #tpu.memory_space<vmem>>) offsets(%dma_start3A_704 : memref<8xi32, #tpu.memory_space<vmem>>) semaphore(%arg8 : memref<!tpu.dma_semaphore, #tpu.memory_space<semaphore_mem>>)
      %add3A_708 = arith.constant 2 : i32
      %add3A_709 = arith.addi %add3A_579, %add3A_708 : i32
      %mul3A_710 = arith.constant 8 : i32
      %mul3A_711 = arith.muli %add3A_709, %mul3A_710 : i32
      %dma_wait3A_712 = arith.constant 0 : i32
      %dma_wait3A_713 = arith.constant 0 : i32
      %dma_wait3A_714 = arith.constant 0 : i32
      %dma_wait3A_715 = tpu.memref_slice %arg6[%dma_wait3A_712, %dma_wait3A_713, %dma_wait3A_714] : memref<6x8x2048xf32, #tpu.memory_space<vmem>> -> memref<1x8x2048xf32, #tpu.memory_space<vmem>>
      %dma_wait3A_716 = tpu.memref_squeeze %dma_wait3A_715 : memref<1x8x2048xf32, #tpu.memory_space<vmem>> -> memref<8x2048xf32, #tpu.memory_space<vmem>>
      %dma_wait3A_717 = tpu.memref_slice %arg5[%mul3A_711] : memref<512xi32, #tpu.memory_space<vmem>> -> memref<8xi32, #tpu.memory_space<vmem>>
      %dma_wait3A_718 = arith.constant 0 : i32
      %dma_wait3A_719 = arith.constant 0 : i32
      %dma_wait3A_720 = tpu.memref_slice %arg3[%dma_wait3A_718, %dma_wait3A_719] : memref<32000x2048xf32, #tpu.memory_space<hbm>> -> memref<32000x2048xf32, #tpu.memory_space<hbm>>
      tpu.wait_indirect_dma semaphore(%arg7 : memref<!tpu.dma_semaphore, #tpu.memory_space<semaphore_mem>>) src(%dma_wait3A_720 : memref<32000x2048xf32, #tpu.memory_space<hbm>>) dst(%dma_wait3A_716 : memref<8x2048xf32, #tpu.memory_space<vmem>>)
      %mul3A_721 = arith.constant 8 : i32
      %mul3A_722 = arith.muli %add3A_709, %mul3A_721 : i32
      %add3A_723 = arith.addi %mul3A_32, %mul3A_722 : i32
      %dma_start3A_724 = arith.constant 0 : i32
      %dma_start3A_725 = arith.constant 0 : i32
      %dma_start3A_726 = arith.constant 0 : i32
      %dma_start3A_727 = tpu.memref_slice %arg6[%dma_start3A_724, %dma_start3A_725, %dma_start3A_726] : memref<6x8x2048xf32, #tpu.memory_space<vmem>> -> memref<1x8x2048xf32, #tpu.memory_space<vmem>>
      %dma_start3A_728 = tpu.memref_squeeze %dma_start3A_727 : memref<1x8x2048xf32, #tpu.memory_space<vmem>> -> memref<8x2048xf32, #tpu.memory_space<vmem>>
      %dma_start3A_729 = arith.constant 0 : i32
      %dma_start3A_730 = tpu.memref_slice %arg4[%select_n3A, %add3A_723, %dma_start3A_729] : memref<4x4096x2048xf32, #tpu.memory_space<hbm>> -> memref<1x8x2048xf32, #tpu.memory_space<hbm>>
      %dma_start3A_731 = tpu.memref_squeeze %dma_start3A_730 : memref<1x8x2048xf32, #tpu.memory_space<hbm>> -> memref<8x2048xf32, #tpu.memory_space<hbm>>
      %dma_start3A_732 = arith.constant 0 : i32
      %dma_start3A_733 = tpu.memref_slice %arg4[%select_n3A, %add3A_723, %dma_start3A_732] : memref<4x4096x2048xf32, #tpu.memory_space<hbm>> -> memref<1x8x2048xf32, #tpu.memory_space<hbm>>
      %dma_start3A_734 = tpu.memref_squeeze %dma_start3A_733 : memref<1x8x2048xf32, #tpu.memory_space<hbm>> -> memref<8x2048xf32, #tpu.memory_space<hbm>>
      %dma_start3A_735 = arith.constant 0 : i32
      %dma_start3A_736 = arith.constant 0 : i32
      %dma_start3A_737 = tpu.memref_slice %arg6[%dma_start3A_724, %dma_start3A_735, %dma_start3A_736] : memref<6x8x2048xf32, #tpu.memory_space<vmem>> -> memref<1x8x2048xf32, #tpu.memory_space<vmem>>
      %dma_start3A_738 = tpu.memref_squeeze %dma_start3A_737 : memref<1x8x2048xf32, #tpu.memory_space<vmem>> -> memref<8x2048xf32, #tpu.memory_space<vmem>>
      tpu.enqueue_dma source(%dma_start3A_738 : memref<8x2048xf32, #tpu.memory_space<vmem>>) target(%dma_start3A_734 : memref<8x2048xf32, #tpu.memory_space<hbm>>) target_semaphore(%arg13 : memref<!tpu.dma_semaphore, #tpu.memory_space<semaphore_mem>>)
      %sub3A_739 = arith.constant 4 : i32
      %sub3A_740 = arith.subi %add3A_709, %sub3A_739 : i32
      %mul3A_741 = arith.constant 8 : i32
      %mul3A_742 = arith.muli %sub3A_740, %mul3A_741 : i32
      %add3A_743 = arith.addi %mul3A_32, %mul3A_742 : i32
      %dma_wait3A_744 = arith.constant 2 : i32
      %dma_wait3A_745 = arith.constant 0 : i32
      %dma_wait3A_746 = arith.constant 0 : i32
      %dma_wait3A_747 = tpu.memref_slice %arg6[%dma_wait3A_744, %dma_wait3A_745, %dma_wait3A_746] : memref<6x8x2048xf32, #tpu.memory_space<vmem>> -> memref<1x8x2048xf32, #tpu.memory_space<vmem>>
      %dma_wait3A_748 = tpu.memref_squeeze %dma_wait3A_747 : memref<1x8x2048xf32, #tpu.memory_space<vmem>> -> memref<8x2048xf32, #tpu.memory_space<vmem>>
      %dma_wait3A_749 = arith.constant 0 : i32
      %dma_wait3A_750 = tpu.memref_slice %arg4[%select_n3A, %add3A_743, %dma_wait3A_749] : memref<4x4096x2048xf32, #tpu.memory_space<hbm>> -> memref<1x8x2048xf32, #tpu.memory_space<hbm>>
      %dma_wait3A_751 = tpu.memref_squeeze %dma_wait3A_750 : memref<1x8x2048xf32, #tpu.memory_space<hbm>> -> memref<8x2048xf32, #tpu.memory_space<hbm>>
      %dma_wait3A_752 = arith.constant 0 : i32
      %dma_wait3A_753 = tpu.memref_slice %arg4[%select_n3A, %add3A_743, %dma_wait3A_752] : memref<4x4096x2048xf32, #tpu.memory_space<hbm>> -> memref<1x8x2048xf32, #tpu.memory_space<hbm>>
      %dma_wait3A_754 = tpu.memref_squeeze %dma_wait3A_753 : memref<1x8x2048xf32, #tpu.memory_space<hbm>> -> memref<8x2048xf32, #tpu.memory_space<hbm>>
      %dma_wait3A_755 = arith.constant 0 : i32
      %dma_wait3A_756 = arith.constant 0 : i32
      %dma_wait3A_757 = tpu.memref_slice %arg6[%dma_wait3A_744, %dma_wait3A_755, %dma_wait3A_756] : memref<6x8x2048xf32, #tpu.memory_space<vmem>> -> memref<1x8x2048xf32, #tpu.memory_space<vmem>>
      %dma_wait3A_758 = tpu.memref_squeeze %dma_wait3A_757 : memref<1x8x2048xf32, #tpu.memory_space<vmem>> -> memref<8x2048xf32, #tpu.memory_space<vmem>>
      tpu.wait_dma2 semaphore(%arg15 : memref<!tpu.dma_semaphore, #tpu.memory_space<semaphore_mem>>) src(%dma_wait3A_758 : memref<8x2048xf32, #tpu.memory_space<vmem>>) dst(%dma_wait3A_754 : memref<8x2048xf32, #tpu.memory_space<hbm>>)
      %add3A_759 = arith.constant 2 : i32
      %add3A_760 = arith.addi %add3A_709, %add3A_759 : i32
      %mul3A_761 = arith.constant 8 : i32
      %mul3A_762 = arith.muli %add3A_760, %mul3A_761 : i32
      %dma_start3A_763 = arith.constant 2 : i32
      %dma_start3A_764 = arith.constant 0 : i32
      %dma_start3A_765 = arith.constant 0 : i32
      %dma_start3A_766 = tpu.memref_slice %arg6[%dma_start3A_763, %dma_start3A_764, %dma_start3A_765] : memref<6x8x2048xf32, #tpu.memory_space<vmem>> -> memref<1x8x2048xf32, #tpu.memory_space<vmem>>
      %dma_start3A_767 = tpu.memref_squeeze %dma_start3A_766 : memref<1x8x2048xf32, #tpu.memory_space<vmem>> -> memref<8x2048xf32, #tpu.memory_space<vmem>>
      %dma_start3A_768 = tpu.memref_slice %arg5[%mul3A_762] : memref<512xi32, #tpu.memory_space<vmem>> -> memref<8xi32, #tpu.memory_space<vmem>>
      %dma_start3A_769 = arith.constant 0 : i32
      %dma_start3A_770 = arith.constant 0 : i32
      %dma_start3A_771 = tpu.memref_slice %arg3[%dma_start3A_769, %dma_start3A_770] : memref<32000x2048xf32, #tpu.memory_space<hbm>> -> memref<32000x2048xf32, #tpu.memory_space<hbm>>
      tpu.enqueue_indirect_dma source(%dma_start3A_771 : memref<32000x2048xf32, #tpu.memory_space<hbm>>) target(%dma_start3A_767 : memref<8x2048xf32, #tpu.memory_space<vmem>>) offsets(%dma_start3A_768 : memref<8xi32, #tpu.memory_space<vmem>>) semaphore(%arg9 : memref<!tpu.dma_semaphore, #tpu.memory_space<semaphore_mem>>)
      %add3A_772 = arith.constant 3 : i32
      %add3A_773 = arith.addi %add3A_579, %add3A_772 : i32
      %mul3A_774 = arith.constant 8 : i32
      %mul3A_775 = arith.muli %add3A_773, %mul3A_774 : i32
      %dma_wait3A_776 = arith.constant 1 : i32
      %dma_wait3A_777 = arith.constant 0 : i32
      %dma_wait3A_778 = arith.constant 0 : i32
      %dma_wait3A_779 = tpu.memref_slice %arg6[%dma_wait3A_776, %dma_wait3A_777, %dma_wait3A_778] : memref<6x8x2048xf32, #tpu.memory_space<vmem>> -> memref<1x8x2048xf32, #tpu.memory_space<vmem>>
      %dma_wait3A_780 = tpu.memref_squeeze %dma_wait3A_779 : memref<1x8x2048xf32, #tpu.memory_space<vmem>> -> memref<8x2048xf32, #tpu.memory_space<vmem>>
      %dma_wait3A_781 = tpu.memref_slice %arg5[%mul3A_775] : memref<512xi32, #tpu.memory_space<vmem>> -> memref<8xi32, #tpu.memory_space<vmem>>
      %dma_wait3A_782 = arith.constant 0 : i32
      %dma_wait3A_783 = arith.constant 0 : i32
      %dma_wait3A_784 = tpu.memref_slice %arg3[%dma_wait3A_782, %dma_wait3A_783] : memref<32000x2048xf32, #tpu.memory_space<hbm>> -> memref<32000x2048xf32, #tpu.memory_space<hbm>>
      tpu.wait_indirect_dma semaphore(%arg8 : memref<!tpu.dma_semaphore, #tpu.memory_space<semaphore_mem>>) src(%dma_wait3A_784 : memref<32000x2048xf32, #tpu.memory_space<hbm>>) dst(%dma_wait3A_780 : memref<8x2048xf32, #tpu.memory_space<vmem>>)
      %mul3A_785 = arith.constant 8 : i32
      %mul3A_786 = arith.muli %add3A_773, %mul3A_785 : i32
      %add3A_787 = arith.addi %mul3A_32, %mul3A_786 : i32
      %dma_start3A_788 = arith.constant 1 : i32
      %dma_start3A_789 = arith.constant 0 : i32
      %dma_start3A_790 = arith.constant 0 : i32
      %dma_start3A_791 = tpu.memref_slice %arg6[%dma_start3A_788, %dma_start3A_789, %dma_start3A_790] : memref<6x8x2048xf32, #tpu.memory_space<vmem>> -> memref<1x8x2048xf32, #tpu.memory_space<vmem>>
      %dma_start3A_792 = tpu.memref_squeeze %dma_start3A_791 : memref<1x8x2048xf32, #tpu.memory_space<vmem>> -> memref<8x2048xf32, #tpu.memory_space<vmem>>
      %dma_start3A_793 = arith.constant 0 : i32
      %dma_start3A_794 = tpu.memref_slice %arg4[%select_n3A, %add3A_787, %dma_start3A_793] : memref<4x4096x2048xf32, #tpu.memory_space<hbm>> -> memref<1x8x2048xf32, #tpu.memory_space<hbm>>
      %dma_start3A_795 = tpu.memref_squeeze %dma_start3A_794 : memref<1x8x2048xf32, #tpu.memory_space<hbm>> -> memref<8x2048xf32, #tpu.memory_space<hbm>>
      %dma_start3A_796 = arith.constant 0 : i32
      %dma_start3A_797 = tpu.memref_slice %arg4[%select_n3A, %add3A_787, %dma_start3A_796] : memref<4x4096x2048xf32, #tpu.memory_space<hbm>> -> memref<1x8x2048xf32, #tpu.memory_space<hbm>>
      %dma_start3A_798 = tpu.memref_squeeze %dma_start3A_797 : memref<1x8x2048xf32, #tpu.memory_space<hbm>> -> memref<8x2048xf32, #tpu.memory_space<hbm>>
      %dma_start3A_799 = arith.constant 0 : i32
      %dma_start3A_800 = arith.constant 0 : i32
      %dma_start3A_801 = tpu.memref_slice %arg6[%dma_start3A_788, %dma_start3A_799, %dma_start3A_800] : memref<6x8x2048xf32, #tpu.memory_space<vmem>> -> memref<1x8x2048xf32, #tpu.memory_space<vmem>>
      %dma_start3A_802 = tpu.memref_squeeze %dma_start3A_801 : memref<1x8x2048xf32, #tpu.memory_space<vmem>> -> memref<8x2048xf32, #tpu.memory_space<vmem>>
      tpu.enqueue_dma source(%dma_start3A_802 : memref<8x2048xf32, #tpu.memory_space<vmem>>) target(%dma_start3A_798 : memref<8x2048xf32, #tpu.memory_space<hbm>>) target_semaphore(%arg14 : memref<!tpu.dma_semaphore, #tpu.memory_space<semaphore_mem>>)
      %sub3A_803 = arith.constant 4 : i32
      %sub3A_804 = arith.subi %add3A_773, %sub3A_803 : i32
      %mul3A_805 = arith.constant 8 : i32
      %mul3A_806 = arith.muli %sub3A_804, %mul3A_805 : i32
      %add3A_807 = arith.addi %mul3A_32, %mul3A_806 : i32
      %dma_wait3A_808 = arith.constant 3 : i32
      %dma_wait3A_809 = arith.constant 0 : i32
      %dma_wait3A_810 = arith.constant 0 : i32
      %dma_wait3A_811 = tpu.memref_slice %arg6[%dma_wait3A_808, %dma_wait3A_809, %dma_wait3A_810] : memref<6x8x2048xf32, #tpu.memory_space<vmem>> -> memref<1x8x2048xf32, #tpu.memory_space<vmem>>
      %dma_wait3A_812 = tpu.memref_squeeze %dma_wait3A_811 : memref<1x8x2048xf32, #tpu.memory_space<vmem>> -> memref<8x2048xf32, #tpu.memory_space<vmem>>
      %dma_wait3A_813 = arith.constant 0 : i32
      %dma_wait3A_814 = tpu.memref_slice %arg4[%select_n3A, %add3A_807, %dma_wait3A_813] : memref<4x4096x2048xf32, #tpu.memory_space<hbm>> -> memref<1x8x2048xf32, #tpu.memory_space<hbm>>
      %dma_wait3A_815 = tpu.memref_squeeze %dma_wait3A_814 : memref<1x8x2048xf32, #tpu.memory_space<hbm>> -> memref<8x2048xf32, #tpu.memory_space<hbm>>
      %dma_wait3A_816 = arith.constant 0 : i32
      %dma_wait3A_817 = tpu.memref_slice %arg4[%select_n3A, %add3A_807, %dma_wait3A_816] : memref<4x4096x2048xf32, #tpu.memory_space<hbm>> -> memref<1x8x2048xf32, #tpu.memory_space<hbm>>
      %dma_wait3A_818 = tpu.memref_squeeze %dma_wait3A_817 : memref<1x8x2048xf32, #tpu.memory_space<hbm>> -> memref<8x2048xf32, #tpu.memory_space<hbm>>
      %dma_wait3A_819 = arith.constant 0 : i32
      %dma_wait3A_820 = arith.constant 0 : i32
      %dma_wait3A_821 = tpu.memref_slice %arg6[%dma_wait3A_808, %dma_wait3A_819, %dma_wait3A_820] : memref<6x8x2048xf32, #tpu.memory_space<vmem>> -> memref<1x8x2048xf32, #tpu.memory_space<vmem>>
      %dma_wait3A_822 = tpu.memref_squeeze %dma_wait3A_821 : memref<1x8x2048xf32, #tpu.memory_space<vmem>> -> memref<8x2048xf32, #tpu.memory_space<vmem>>
      tpu.wait_dma2 semaphore(%arg16 : memref<!tpu.dma_semaphore, #tpu.memory_space<semaphore_mem>>) src(%dma_wait3A_822 : memref<8x2048xf32, #tpu.memory_space<vmem>>) dst(%dma_wait3A_818 : memref<8x2048xf32, #tpu.memory_space<hbm>>)
      %add3A_823 = arith.constant 2 : i32
      %add3A_824 = arith.addi %add3A_773, %add3A_823 : i32
      %mul3A_825 = arith.constant 8 : i32
      %mul3A_826 = arith.muli %add3A_824, %mul3A_825 : i32
      %dma_start3A_827 = arith.constant 3 : i32
      %dma_start3A_828 = arith.constant 0 : i32
      %dma_start3A_829 = arith.constant 0 : i32
      %dma_start3A_830 = tpu.memref_slice %arg6[%dma_start3A_827, %dma_start3A_828, %dma_start3A_829] : memref<6x8x2048xf32, #tpu.memory_space<vmem>> -> memref<1x8x2048xf32, #tpu.memory_space<vmem>>
      %dma_start3A_831 = tpu.memref_squeeze %dma_start3A_830 : memref<1x8x2048xf32, #tpu.memory_space<vmem>> -> memref<8x2048xf32, #tpu.memory_space<vmem>>
      %dma_start3A_832 = tpu.memref_slice %arg5[%mul3A_826] : memref<512xi32, #tpu.memory_space<vmem>> -> memref<8xi32, #tpu.memory_space<vmem>>
      %dma_start3A_833 = arith.constant 0 : i32
      %dma_start3A_834 = arith.constant 0 : i32
      %dma_start3A_835 = tpu.memref_slice %arg3[%dma_start3A_833, %dma_start3A_834] : memref<32000x2048xf32, #tpu.memory_space<hbm>> -> memref<32000x2048xf32, #tpu.memory_space<hbm>>
      tpu.enqueue_indirect_dma source(%dma_start3A_835 : memref<32000x2048xf32, #tpu.memory_space<hbm>>) target(%dma_start3A_831 : memref<8x2048xf32, #tpu.memory_space<vmem>>) offsets(%dma_start3A_832 : memref<8xi32, #tpu.memory_space<vmem>>) semaphore(%arg10 : memref<!tpu.dma_semaphore, #tpu.memory_space<semaphore_mem>>)
      %add3A_836 = arith.constant 4 : i32
      %add3A_837 = arith.addi %add3A_579, %add3A_836 : i32
      %mul3A_838 = arith.constant 8 : i32
      %mul3A_839 = arith.muli %add3A_837, %mul3A_838 : i32
      %dma_wait3A_840 = arith.constant 2 : i32
      %dma_wait3A_841 = arith.constant 0 : i32
      %dma_wait3A_842 = arith.constant 0 : i32
      %dma_wait3A_843 = tpu.memref_slice %arg6[%dma_wait3A_840, %dma_wait3A_841, %dma_wait3A_842] : memref<6x8x2048xf32, #tpu.memory_space<vmem>> -> memref<1x8x2048xf32, #tpu.memory_space<vmem>>
      %dma_wait3A_844 = tpu.memref_squeeze %dma_wait3A_843 : memref<1x8x2048xf32, #tpu.memory_space<vmem>> -> memref<8x2048xf32, #tpu.memory_space<vmem>>
      %dma_wait3A_845 = tpu.memref_slice %arg5[%mul3A_839] : memref<512xi32, #tpu.memory_space<vmem>> -> memref<8xi32, #tpu.memory_space<vmem>>
      %dma_wait3A_846 = arith.constant 0 : i32
      %dma_wait3A_847 = arith.constant 0 : i32
      %dma_wait3A_848 = tpu.memref_slice %arg3[%dma_wait3A_846, %dma_wait3A_847] : memref<32000x2048xf32, #tpu.memory_space<hbm>> -> memref<32000x2048xf32, #tpu.memory_space<hbm>>
      tpu.wait_indirect_dma semaphore(%arg9 : memref<!tpu.dma_semaphore, #tpu.memory_space<semaphore_mem>>) src(%dma_wait3A_848 : memref<32000x2048xf32, #tpu.memory_space<hbm>>) dst(%dma_wait3A_844 : memref<8x2048xf32, #tpu.memory_space<vmem>>)
      %mul3A_849 = arith.constant 8 : i32
      %mul3A_850 = arith.muli %add3A_837, %mul3A_849 : i32
      %add3A_851 = arith.addi %mul3A_32, %mul3A_850 : i32
      %dma_start3A_852 = arith.constant 2 : i32
      %dma_start3A_853 = arith.constant 0 : i32
      %dma_start3A_854 = arith.constant 0 : i32
      %dma_start3A_855 = tpu.memref_slice %arg6[%dma_start3A_852, %dma_start3A_853, %dma_start3A_854] : memref<6x8x2048xf32, #tpu.memory_space<vmem>> -> memref<1x8x2048xf32, #tpu.memory_space<vmem>>
      %dma_start3A_856 = tpu.memref_squeeze %dma_start3A_855 : memref<1x8x2048xf32, #tpu.memory_space<vmem>> -> memref<8x2048xf32, #tpu.memory_space<vmem>>
      %dma_start3A_857 = arith.constant 0 : i32
      %dma_start3A_858 = tpu.memref_slice %arg4[%select_n3A, %add3A_851, %dma_start3A_857] : memref<4x4096x2048xf32, #tpu.memory_space<hbm>> -> memref<1x8x2048xf32, #tpu.memory_space<hbm>>
      %dma_start3A_859 = tpu.memref_squeeze %dma_start3A_858 : memref<1x8x2048xf32, #tpu.memory_space<hbm>> -> memref<8x2048xf32, #tpu.memory_space<hbm>>
      %dma_start3A_860 = arith.constant 0 : i32
      %dma_start3A_861 = tpu.memref_slice %arg4[%select_n3A, %add3A_851, %dma_start3A_860] : memref<4x4096x2048xf32, #tpu.memory_space<hbm>> -> memref<1x8x2048xf32, #tpu.memory_space<hbm>>
      %dma_start3A_862 = tpu.memref_squeeze %dma_start3A_861 : memref<1x8x2048xf32, #tpu.memory_space<hbm>> -> memref<8x2048xf32, #tpu.memory_space<hbm>>
      %dma_start3A_863 = arith.constant 0 : i32
      %dma_start3A_864 = arith.constant 0 : i32
      %dma_start3A_865 = tpu.memref_slice %arg6[%dma_start3A_852, %dma_start3A_863, %dma_start3A_864] : memref<6x8x2048xf32, #tpu.memory_space<vmem>> -> memref<1x8x2048xf32, #tpu.memory_space<vmem>>
      %dma_start3A_866 = tpu.memref_squeeze %dma_start3A_865 : memref<1x8x2048xf32, #tpu.memory_space<vmem>> -> memref<8x2048xf32, #tpu.memory_space<vmem>>
      tpu.enqueue_dma source(%dma_start3A_866 : memref<8x2048xf32, #tpu.memory_space<vmem>>) target(%dma_start3A_862 : memref<8x2048xf32, #tpu.memory_space<hbm>>) target_semaphore(%arg15 : memref<!tpu.dma_semaphore, #tpu.memory_space<semaphore_mem>>)
      %sub3A_867 = arith.constant 4 : i32
      %sub3A_868 = arith.subi %add3A_837, %sub3A_867 : i32
      %mul3A_869 = arith.constant 8 : i32
      %mul3A_870 = arith.muli %sub3A_868, %mul3A_869 : i32
      %add3A_871 = arith.addi %mul3A_32, %mul3A_870 : i32
      %dma_wait3A_872 = arith.constant 4 : i32
      %dma_wait3A_873 = arith.constant 0 : i32
      %dma_wait3A_874 = arith.constant 0 : i32
      %dma_wait3A_875 = tpu.memref_slice %arg6[%dma_wait3A_872, %dma_wait3A_873, %dma_wait3A_874] : memref<6x8x2048xf32, #tpu.memory_space<vmem>> -> memref<1x8x2048xf32, #tpu.memory_space<vmem>>
      %dma_wait3A_876 = tpu.memref_squeeze %dma_wait3A_875 : memref<1x8x2048xf32, #tpu.memory_space<vmem>> -> memref<8x2048xf32, #tpu.memory_space<vmem>>
      %dma_wait3A_877 = arith.constant 0 : i32
      %dma_wait3A_878 = tpu.memref_slice %arg4[%select_n3A, %add3A_871, %dma_wait3A_877] : memref<4x4096x2048xf32, #tpu.memory_space<hbm>> -> memref<1x8x2048xf32, #tpu.memory_space<hbm>>
      %dma_wait3A_879 = tpu.memref_squeeze %dma_wait3A_878 : memref<1x8x2048xf32, #tpu.memory_space<hbm>> -> memref<8x2048xf32, #tpu.memory_space<hbm>>
      %dma_wait3A_880 = arith.constant 0 : i32
      %dma_wait3A_881 = tpu.memref_slice %arg4[%select_n3A, %add3A_871, %dma_wait3A_880] : memref<4x4096x2048xf32, #tpu.memory_space<hbm>> -> memref<1x8x2048xf32, #tpu.memory_space<hbm>>
      %dma_wait3A_882 = tpu.memref_squeeze %dma_wait3A_881 : memref<1x8x2048xf32, #tpu.memory_space<hbm>> -> memref<8x2048xf32, #tpu.memory_space<hbm>>
      %dma_wait3A_883 = arith.constant 0 : i32
      %dma_wait3A_884 = arith.constant 0 : i32
      %dma_wait3A_885 = tpu.memref_slice %arg6[%dma_wait3A_872, %dma_wait3A_883, %dma_wait3A_884] : memref<6x8x2048xf32, #tpu.memory_space<vmem>> -> memref<1x8x2048xf32, #tpu.memory_space<vmem>>
      %dma_wait3A_886 = tpu.memref_squeeze %dma_wait3A_885 : memref<1x8x2048xf32, #tpu.memory_space<vmem>> -> memref<8x2048xf32, #tpu.memory_space<vmem>>
      tpu.wait_dma2 semaphore(%arg17 : memref<!tpu.dma_semaphore, #tpu.memory_space<semaphore_mem>>) src(%dma_wait3A_886 : memref<8x2048xf32, #tpu.memory_space<vmem>>) dst(%dma_wait3A_882 : memref<8x2048xf32, #tpu.memory_space<hbm>>)
      %add3A_887 = arith.constant 2 : i32
      %add3A_888 = arith.addi %add3A_837, %add3A_887 : i32
      %mul3A_889 = arith.constant 8 : i32
      %mul3A_890 = arith.muli %add3A_888, %mul3A_889 : i32
      %dma_start3A_891 = arith.constant 4 : i32
      %dma_start3A_892 = arith.constant 0 : i32
      %dma_start3A_893 = arith.constant 0 : i32
      %dma_start3A_894 = tpu.memref_slice %arg6[%dma_start3A_891, %dma_start3A_892, %dma_start3A_893] : memref<6x8x2048xf32, #tpu.memory_space<vmem>> -> memref<1x8x2048xf32, #tpu.memory_space<vmem>>
      %dma_start3A_895 = tpu.memref_squeeze %dma_start3A_894 : memref<1x8x2048xf32, #tpu.memory_space<vmem>> -> memref<8x2048xf32, #tpu.memory_space<vmem>>
      %dma_start3A_896 = tpu.memref_slice %arg5[%mul3A_890] : memref<512xi32, #tpu.memory_space<vmem>> -> memref<8xi32, #tpu.memory_space<vmem>>
      %dma_start3A_897 = arith.constant 0 : i32
      %dma_start3A_898 = arith.constant 0 : i32
      %dma_start3A_899 = tpu.memref_slice %arg3[%dma_start3A_897, %dma_start3A_898] : memref<32000x2048xf32, #tpu.memory_space<hbm>> -> memref<32000x2048xf32, #tpu.memory_space<hbm>>
      tpu.enqueue_indirect_dma source(%dma_start3A_899 : memref<32000x2048xf32, #tpu.memory_space<hbm>>) target(%dma_start3A_895 : memref<8x2048xf32, #tpu.memory_space<vmem>>) offsets(%dma_start3A_896 : memref<8xi32, #tpu.memory_space<vmem>>) semaphore(%arg11 : memref<!tpu.dma_semaphore, #tpu.memory_space<semaphore_mem>>)
      %add3A_900 = arith.constant 5 : i32
      %add3A_901 = arith.addi %add3A_579, %add3A_900 : i32
      %mul3A_902 = arith.constant 8 : i32
      %mul3A_903 = arith.muli %add3A_901, %mul3A_902 : i32
      %dma_wait3A_904 = arith.constant 3 : i32
      %dma_wait3A_905 = arith.constant 0 : i32
      %dma_wait3A_906 = arith.constant 0 : i32
      %dma_wait3A_907 = tpu.memref_slice %arg6[%dma_wait3A_904, %dma_wait3A_905, %dma_wait3A_906] : memref<6x8x2048xf32, #tpu.memory_space<vmem>> -> memref<1x8x2048xf32, #tpu.memory_space<vmem>>
      %dma_wait3A_908 = tpu.memref_squeeze %dma_wait3A_907 : memref<1x8x2048xf32, #tpu.memory_space<vmem>> -> memref<8x2048xf32, #tpu.memory_space<vmem>>
      %dma_wait3A_909 = tpu.memref_slice %arg5[%mul3A_903] : memref<512xi32, #tpu.memory_space<vmem>> -> memref<8xi32, #tpu.memory_space<vmem>>
      %dma_wait3A_910 = arith.constant 0 : i32
      %dma_wait3A_911 = arith.constant 0 : i32
      %dma_wait3A_912 = tpu.memref_slice %arg3[%dma_wait3A_910, %dma_wait3A_911] : memref<32000x2048xf32, #tpu.memory_space<hbm>> -> memref<32000x2048xf32, #tpu.memory_space<hbm>>
      tpu.wait_indirect_dma semaphore(%arg10 : memref<!tpu.dma_semaphore, #tpu.memory_space<semaphore_mem>>) src(%dma_wait3A_912 : memref<32000x2048xf32, #tpu.memory_space<hbm>>) dst(%dma_wait3A_908 : memref<8x2048xf32, #tpu.memory_space<vmem>>)
      %mul3A_913 = arith.constant 8 : i32
      %mul3A_914 = arith.muli %add3A_901, %mul3A_913 : i32
      %add3A_915 = arith.addi %mul3A_32, %mul3A_914 : i32
      %dma_start3A_916 = arith.constant 3 : i32
      %dma_start3A_917 = arith.constant 0 : i32
      %dma_start3A_918 = arith.constant 0 : i32
      %dma_start3A_919 = tpu.memref_slice %arg6[%dma_start3A_916, %dma_start3A_917, %dma_start3A_918] : memref<6x8x2048xf32, #tpu.memory_space<vmem>> -> memref<1x8x2048xf32, #tpu.memory_space<vmem>>
      %dma_start3A_920 = tpu.memref_squeeze %dma_start3A_919 : memref<1x8x2048xf32, #tpu.memory_space<vmem>> -> memref<8x2048xf32, #tpu.memory_space<vmem>>
      %dma_start3A_921 = arith.constant 0 : i32
      %dma_start3A_922 = tpu.memref_slice %arg4[%select_n3A, %add3A_915, %dma_start3A_921] : memref<4x4096x2048xf32, #tpu.memory_space<hbm>> -> memref<1x8x2048xf32, #tpu.memory_space<hbm>>
      %dma_start3A_923 = tpu.memref_squeeze %dma_start3A_922 : memref<1x8x2048xf32, #tpu.memory_space<hbm>> -> memref<8x2048xf32, #tpu.memory_space<hbm>>
      %dma_start3A_924 = arith.constant 0 : i32
      %dma_start3A_925 = tpu.memref_slice %arg4[%select_n3A, %add3A_915, %dma_start3A_924] : memref<4x4096x2048xf32, #tpu.memory_space<hbm>> -> memref<1x8x2048xf32, #tpu.memory_space<hbm>>
      %dma_start3A_926 = tpu.memref_squeeze %dma_start3A_925 : memref<1x8x2048xf32, #tpu.memory_space<hbm>> -> memref<8x2048xf32, #tpu.memory_space<hbm>>
      %dma_start3A_927 = arith.constant 0 : i32
      %dma_start3A_928 = arith.constant 0 : i32
      %dma_start3A_929 = tpu.memref_slice %arg6[%dma_start3A_916, %dma_start3A_927, %dma_start3A_928] : memref<6x8x2048xf32, #tpu.memory_space<vmem>> -> memref<1x8x2048xf32, #tpu.memory_space<vmem>>
      %dma_start3A_930 = tpu.memref_squeeze %dma_start3A_929 : memref<1x8x2048xf32, #tpu.memory_space<vmem>> -> memref<8x2048xf32, #tpu.memory_space<vmem>>
      tpu.enqueue_dma source(%dma_start3A_930 : memref<8x2048xf32, #tpu.memory_space<vmem>>) target(%dma_start3A_926 : memref<8x2048xf32, #tpu.memory_space<hbm>>) target_semaphore(%arg16 : memref<!tpu.dma_semaphore, #tpu.memory_space<semaphore_mem>>)
      %sub3A_931 = arith.constant 4 : i32
      %sub3A_932 = arith.subi %add3A_901, %sub3A_931 : i32
      %mul3A_933 = arith.constant 8 : i32
      %mul3A_934 = arith.muli %sub3A_932, %mul3A_933 : i32
      %add3A_935 = arith.addi %mul3A_32, %mul3A_934 : i32
      %dma_wait3A_936 = arith.constant 5 : i32
      %dma_wait3A_937 = arith.constant 0 : i32
      %dma_wait3A_938 = arith.constant 0 : i32
      %dma_wait3A_939 = tpu.memref_slice %arg6[%dma_wait3A_936, %dma_wait3A_937, %dma_wait3A_938] : memref<6x8x2048xf32, #tpu.memory_space<vmem>> -> memref<1x8x2048xf32, #tpu.memory_space<vmem>>
      %dma_wait3A_940 = tpu.memref_squeeze %dma_wait3A_939 : memref<1x8x2048xf32, #tpu.memory_space<vmem>> -> memref<8x2048xf32, #tpu.memory_space<vmem>>
      %dma_wait3A_941 = arith.constant 0 : i32
      %dma_wait3A_942 = tpu.memref_slice %arg4[%select_n3A, %add3A_935, %dma_wait3A_941] : memref<4x4096x2048xf32, #tpu.memory_space<hbm>> -> memref<1x8x2048xf32, #tpu.memory_space<hbm>>
      %dma_wait3A_943 = tpu.memref_squeeze %dma_wait3A_942 : memref<1x8x2048xf32, #tpu.memory_space<hbm>> -> memref<8x2048xf32, #tpu.memory_space<hbm>>
      %dma_wait3A_944 = arith.constant 0 : i32
      %dma_wait3A_945 = tpu.memref_slice %arg4[%select_n3A, %add3A_935, %dma_wait3A_944] : memref<4x4096x2048xf32, #tpu.memory_space<hbm>> -> memref<1x8x2048xf32, #tpu.memory_space<hbm>>
      %dma_wait3A_946 = tpu.memref_squeeze %dma_wait3A_945 : memref<1x8x2048xf32, #tpu.memory_space<hbm>> -> memref<8x2048xf32, #tpu.memory_space<hbm>>
      %dma_wait3A_947 = arith.constant 0 : i32
      %dma_wait3A_948 = arith.constant 0 : i32
      %dma_wait3A_949 = tpu.memref_slice %arg6[%dma_wait3A_936, %dma_wait3A_947, %dma_wait3A_948] : memref<6x8x2048xf32, #tpu.memory_space<vmem>> -> memref<1x8x2048xf32, #tpu.memory_space<vmem>>
      %dma_wait3A_950 = tpu.memref_squeeze %dma_wait3A_949 : memref<1x8x2048xf32, #tpu.memory_space<vmem>> -> memref<8x2048xf32, #tpu.memory_space<vmem>>
      tpu.wait_dma2 semaphore(%arg18 : memref<!tpu.dma_semaphore, #tpu.memory_space<semaphore_mem>>) src(%dma_wait3A_950 : memref<8x2048xf32, #tpu.memory_space<vmem>>) dst(%dma_wait3A_946 : memref<8x2048xf32, #tpu.memory_space<hbm>>)
      %add3A_951 = arith.constant 2 : i32
      %add3A_952 = arith.addi %add3A_901, %add3A_951 : i32
      %mul3A_953 = arith.constant 8 : i32
      %mul3A_954 = arith.muli %add3A_952, %mul3A_953 : i32
      %dma_start3A_955 = arith.constant 5 : i32
      %dma_start3A_956 = arith.constant 0 : i32
      %dma_start3A_957 = arith.constant 0 : i32
      %dma_start3A_958 = tpu.memref_slice %arg6[%dma_start3A_955, %dma_start3A_956, %dma_start3A_957] : memref<6x8x2048xf32, #tpu.memory_space<vmem>> -> memref<1x8x2048xf32, #tpu.memory_space<vmem>>
      %dma_start3A_959 = tpu.memref_squeeze %dma_start3A_958 : memref<1x8x2048xf32, #tpu.memory_space<vmem>> -> memref<8x2048xf32, #tpu.memory_space<vmem>>
      %dma_start3A_960 = tpu.memref_slice %arg5[%mul3A_954] : memref<512xi32, #tpu.memory_space<vmem>> -> memref<8xi32, #tpu.memory_space<vmem>>
      %dma_start3A_961 = arith.constant 0 : i32
      %dma_start3A_962 = arith.constant 0 : i32
      %dma_start3A_963 = tpu.memref_slice %arg3[%dma_start3A_961, %dma_start3A_962] : memref<32000x2048xf32, #tpu.memory_space<hbm>> -> memref<32000x2048xf32, #tpu.memory_space<hbm>>
      tpu.enqueue_indirect_dma source(%dma_start3A_963 : memref<32000x2048xf32, #tpu.memory_space<hbm>>) target(%dma_start3A_959 : memref<8x2048xf32, #tpu.memory_space<vmem>>) offsets(%dma_start3A_960 : memref<8xi32, #tpu.memory_space<vmem>>) semaphore(%arg12 : memref<!tpu.dma_semaphore, #tpu.memory_space<semaphore_mem>>)
    }
    %scan3A_202 = arith.constant 9 : i32
    %dma_wait3A_203 = arith.constant 4 : i32
    %dma_wait3A_204 = arith.constant 0 : i32
    %dma_wait3A_205 = arith.constant 0 : i32
    %dma_wait3A_206 = tpu.memref_slice %arg6[%dma_wait3A_203, %dma_wait3A_204, %dma_wait3A_205] : memref<6x8x2048xf32, #tpu.memory_space<vmem>> -> memref<1x8x2048xf32, #tpu.memory_space<vmem>>
    %dma_wait3A_207 = tpu.memref_squeeze %dma_wait3A_206 : memref<1x8x2048xf32, #tpu.memory_space<vmem>> -> memref<8x2048xf32, #tpu.memory_space<vmem>>
    %dma_wait3A_208 = arith.constant 464 : i32
    %dma_wait3A_209 = tpu.memref_slice %arg5[%dma_wait3A_208] : memref<512xi32, #tpu.memory_space<vmem>> -> memref<8xi32, #tpu.memory_space<vmem>>
    %dma_wait3A_210 = arith.constant 0 : i32
    %dma_wait3A_211 = arith.constant 0 : i32
    %dma_wait3A_212 = tpu.memref_slice %arg3[%dma_wait3A_210, %dma_wait3A_211] : memref<32000x2048xf32, #tpu.memory_space<hbm>> -> memref<32000x2048xf32, #tpu.memory_space<hbm>>
    tpu.wait_indirect_dma semaphore(%arg11 : memref<!tpu.dma_semaphore, #tpu.memory_space<semaphore_mem>>) src(%dma_wait3A_212 : memref<32000x2048xf32, #tpu.memory_space<hbm>>) dst(%dma_wait3A_207 : memref<8x2048xf32, #tpu.memory_space<vmem>>)
    %add3A_213 = arith.constant 464 : i32
    %add3A_214 = arith.addi %mul3A_32, %add3A_213 : i32
    %dma_start3A_215 = arith.constant 4 : i32
    %dma_start3A_216 = arith.constant 0 : i32
    %dma_start3A_217 = arith.constant 0 : i32
    %dma_start3A_218 = tpu.memref_slice %arg6[%dma_start3A_215, %dma_start3A_216, %dma_start3A_217] : memref<6x8x2048xf32, #tpu.memory_space<vmem>> -> memref<1x8x2048xf32, #tpu.memory_space<vmem>>
    %dma_start3A_219 = tpu.memref_squeeze %dma_start3A_218 : memref<1x8x2048xf32, #tpu.memory_space<vmem>> -> memref<8x2048xf32, #tpu.memory_space<vmem>>
    %dma_start3A_220 = arith.constant 0 : i32
    %dma_start3A_221 = tpu.memref_slice %arg4[%select_n3A, %add3A_214, %dma_start3A_220] : memref<4x4096x2048xf32, #tpu.memory_space<hbm>> -> memref<1x8x2048xf32, #tpu.memory_space<hbm>>
    %dma_start3A_222 = tpu.memref_squeeze %dma_start3A_221 : memref<1x8x2048xf32, #tpu.memory_space<hbm>> -> memref<8x2048xf32, #tpu.memory_space<hbm>>
    %dma_start3A_223 = arith.constant 0 : i32
    %dma_start3A_224 = tpu.memref_slice %arg4[%select_n3A, %add3A_214, %dma_start3A_223] : memref<4x4096x2048xf32, #tpu.memory_space<hbm>> -> memref<1x8x2048xf32, #tpu.memory_space<hbm>>
    %dma_start3A_225 = tpu.memref_squeeze %dma_start3A_224 : memref<1x8x2048xf32, #tpu.memory_space<hbm>> -> memref<8x2048xf32, #tpu.memory_space<hbm>>
    %dma_start3A_226 = arith.constant 0 : i32
    %dma_start3A_227 = arith.constant 0 : i32
    %dma_start3A_228 = tpu.memref_slice %arg6[%dma_start3A_215, %dma_start3A_226, %dma_start3A_227] : memref<6x8x2048xf32, #tpu.memory_space<vmem>> -> memref<1x8x2048xf32, #tpu.memory_space<vmem>>
    %dma_start3A_229 = tpu.memref_squeeze %dma_start3A_228 : memref<1x8x2048xf32, #tpu.memory_space<vmem>> -> memref<8x2048xf32, #tpu.memory_space<vmem>>
    tpu.enqueue_dma source(%dma_start3A_229 : memref<8x2048xf32, #tpu.memory_space<vmem>>) target(%dma_start3A_225 : memref<8x2048xf32, #tpu.memory_space<hbm>>) target_semaphore(%arg17 : memref<!tpu.dma_semaphore, #tpu.memory_space<semaphore_mem>>)
    %add3A_230 = arith.constant 432 : i32
    %add3A_231 = arith.addi %mul3A_32, %add3A_230 : i32
    %dma_wait3A_232 = arith.constant 0 : i32
    %dma_wait3A_233 = arith.constant 0 : i32
    %dma_wait3A_234 = arith.constant 0 : i32
    %dma_wait3A_235 = tpu.memref_slice %arg6[%dma_wait3A_232, %dma_wait3A_233, %dma_wait3A_234] : memref<6x8x2048xf32, #tpu.memory_space<vmem>> -> memref<1x8x2048xf32, #tpu.memory_space<vmem>>
    %dma_wait3A_236 = tpu.memref_squeeze %dma_wait3A_235 : memref<1x8x2048xf32, #tpu.memory_space<vmem>> -> memref<8x2048xf32, #tpu.memory_space<vmem>>
    %dma_wait3A_237 = arith.constant 0 : i32
    %dma_wait3A_238 = tpu.memref_slice %arg4[%select_n3A, %add3A_231, %dma_wait3A_237] : memref<4x4096x2048xf32, #tpu.memory_space<hbm>> -> memref<1x8x2048xf32, #tpu.memory_space<hbm>>
    %dma_wait3A_239 = tpu.memref_squeeze %dma_wait3A_238 : memref<1x8x2048xf32, #tpu.memory_space<hbm>> -> memref<8x2048xf32, #tpu.memory_space<hbm>>
    %dma_wait3A_240 = arith.constant 0 : i32
    %dma_wait3A_241 = tpu.memref_slice %arg4[%select_n3A, %add3A_231, %dma_wait3A_240] : memref<4x4096x2048xf32, #tpu.memory_space<hbm>> -> memref<1x8x2048xf32, #tpu.memory_space<hbm>>
    %dma_wait3A_242 = tpu.memref_squeeze %dma_wait3A_241 : memref<1x8x2048xf32, #tpu.memory_space<hbm>> -> memref<8x2048xf32, #tpu.memory_space<hbm>>
    %dma_wait3A_243 = arith.constant 0 : i32
    %dma_wait3A_244 = arith.constant 0 : i32
    %dma_wait3A_245 = tpu.memref_slice %arg6[%dma_wait3A_232, %dma_wait3A_243, %dma_wait3A_244] : memref<6x8x2048xf32, #tpu.memory_space<vmem>> -> memref<1x8x2048xf32, #tpu.memory_space<vmem>>
    %dma_wait3A_246 = tpu.memref_squeeze %dma_wait3A_245 : memref<1x8x2048xf32, #tpu.memory_space<vmem>> -> memref<8x2048xf32, #tpu.memory_space<vmem>>
    tpu.wait_dma2 semaphore(%arg13 : memref<!tpu.dma_semaphore, #tpu.memory_space<semaphore_mem>>) src(%dma_wait3A_246 : memref<8x2048xf32, #tpu.memory_space<vmem>>) dst(%dma_wait3A_242 : memref<8x2048xf32, #tpu.memory_space<hbm>>)
    %dma_start3A_247 = arith.constant 0 : i32
    %dma_start3A_248 = arith.constant 0 : i32
    %dma_start3A_249 = arith.constant 0 : i32
    %dma_start3A_250 = tpu.memref_slice %arg6[%dma_start3A_247, %dma_start3A_248, %dma_start3A_249] : memref<6x8x2048xf32, #tpu.memory_space<vmem>> -> memref<1x8x2048xf32, #tpu.memory_space<vmem>>
    %dma_start3A_251 = tpu.memref_squeeze %dma_start3A_250 : memref<1x8x2048xf32, #tpu.memory_space<vmem>> -> memref<8x2048xf32, #tpu.memory_space<vmem>>
    %dma_start3A_252 = arith.constant 480 : i32
    %dma_start3A_253 = tpu.memref_slice %arg5[%dma_start3A_252] : memref<512xi32, #tpu.memory_space<vmem>> -> memref<8xi32, #tpu.memory_space<vmem>>
    %dma_start3A_254 = arith.constant 0 : i32
    %dma_start3A_255 = arith.constant 0 : i32
    %dma_start3A_256 = tpu.memref_slice %arg3[%dma_start3A_254, %dma_start3A_255] : memref<32000x2048xf32, #tpu.memory_space<hbm>> -> memref<32000x2048xf32, #tpu.memory_space<hbm>>
    tpu.enqueue_indirect_dma source(%dma_start3A_256 : memref<32000x2048xf32, #tpu.memory_space<hbm>>) target(%dma_start3A_251 : memref<8x2048xf32, #tpu.memory_space<vmem>>) offsets(%dma_start3A_253 : memref<8xi32, #tpu.memory_space<vmem>>) semaphore(%arg7 : memref<!tpu.dma_semaphore, #tpu.memory_space<semaphore_mem>>)
    %dma_wait3A_257 = arith.constant 5 : i32
    %dma_wait3A_258 = arith.constant 0 : i32
    %dma_wait3A_259 = arith.constant 0 : i32
    %dma_wait3A_260 = tpu.memref_slice %arg6[%dma_wait3A_257, %dma_wait3A_258, %dma_wait3A_259] : memref<6x8x2048xf32, #tpu.memory_space<vmem>> -> memref<1x8x2048xf32, #tpu.memory_space<vmem>>
    %dma_wait3A_261 = tpu.memref_squeeze %dma_wait3A_260 : memref<1x8x2048xf32, #tpu.memory_space<vmem>> -> memref<8x2048xf32, #tpu.memory_space<vmem>>
    %dma_wait3A_262 = arith.constant 472 : i32
    %dma_wait3A_263 = tpu.memref_slice %arg5[%dma_wait3A_262] : memref<512xi32, #tpu.memory_space<vmem>> -> memref<8xi32, #tpu.memory_space<vmem>>
    %dma_wait3A_264 = arith.constant 0 : i32
    %dma_wait3A_265 = arith.constant 0 : i32
    %dma_wait3A_266 = tpu.memref_slice %arg3[%dma_wait3A_264, %dma_wait3A_265] : memref<32000x2048xf32, #tpu.memory_space<hbm>> -> memref<32000x2048xf32, #tpu.memory_space<hbm>>
    tpu.wait_indirect_dma semaphore(%arg12 : memref<!tpu.dma_semaphore, #tpu.memory_space<semaphore_mem>>) src(%dma_wait3A_266 : memref<32000x2048xf32, #tpu.memory_space<hbm>>) dst(%dma_wait3A_261 : memref<8x2048xf32, #tpu.memory_space<vmem>>)
    %add3A_267 = arith.constant 472 : i32
    %add3A_268 = arith.addi %mul3A_32, %add3A_267 : i32
    %dma_start3A_269 = arith.constant 5 : i32
    %dma_start3A_270 = arith.constant 0 : i32
    %dma_start3A_271 = arith.constant 0 : i32
    %dma_start3A_272 = tpu.memref_slice %arg6[%dma_start3A_269, %dma_start3A_270, %dma_start3A_271] : memref<6x8x2048xf32, #tpu.memory_space<vmem>> -> memref<1x8x2048xf32, #tpu.memory_space<vmem>>
    %dma_start3A_273 = tpu.memref_squeeze %dma_start3A_272 : memref<1x8x2048xf32, #tpu.memory_space<vmem>> -> memref<8x2048xf32, #tpu.memory_space<vmem>>
    %dma_start3A_274 = arith.constant 0 : i32
    %dma_start3A_275 = tpu.memref_slice %arg4[%select_n3A, %add3A_268, %dma_start3A_274] : memref<4x4096x2048xf32, #tpu.memory_space<hbm>> -> memref<1x8x2048xf32, #tpu.memory_space<hbm>>
    %dma_start3A_276 = tpu.memref_squeeze %dma_start3A_275 : memref<1x8x2048xf32, #tpu.memory_space<hbm>> -> memref<8x2048xf32, #tpu.memory_space<hbm>>
    %dma_start3A_277 = arith.constant 0 : i32
    %dma_start3A_278 = tpu.memref_slice %arg4[%select_n3A, %add3A_268, %dma_start3A_277] : memref<4x4096x2048xf32, #tpu.memory_space<hbm>> -> memref<1x8x2048xf32, #tpu.memory_space<hbm>>
    %dma_start3A_279 = tpu.memref_squeeze %dma_start3A_278 : memref<1x8x2048xf32, #tpu.memory_space<hbm>> -> memref<8x2048xf32, #tpu.memory_space<hbm>>
    %dma_start3A_280 = arith.constant 0 : i32
    %dma_start3A_281 = arith.constant 0 : i32
    %dma_start3A_282 = tpu.memref_slice %arg6[%dma_start3A_269, %dma_start3A_280, %dma_start3A_281] : memref<6x8x2048xf32, #tpu.memory_space<vmem>> -> memref<1x8x2048xf32, #tpu.memory_space<vmem>>
    %dma_start3A_283 = tpu.memref_squeeze %dma_start3A_282 : memref<1x8x2048xf32, #tpu.memory_space<vmem>> -> memref<8x2048xf32, #tpu.memory_space<vmem>>
    tpu.enqueue_dma source(%dma_start3A_283 : memref<8x2048xf32, #tpu.memory_space<vmem>>) target(%dma_start3A_279 : memref<8x2048xf32, #tpu.memory_space<hbm>>) target_semaphore(%arg18 : memref<!tpu.dma_semaphore, #tpu.memory_space<semaphore_mem>>)
    %add3A_284 = arith.constant 440 : i32
    %add3A_285 = arith.addi %mul3A_32, %add3A_284 : i32
    %dma_wait3A_286 = arith.constant 1 : i32
    %dma_wait3A_287 = arith.constant 0 : i32
    %dma_wait3A_288 = arith.constant 0 : i32
    %dma_wait3A_289 = tpu.memref_slice %arg6[%dma_wait3A_286, %dma_wait3A_287, %dma_wait3A_288] : memref<6x8x2048xf32, #tpu.memory_space<vmem>> -> memref<1x8x2048xf32, #tpu.memory_space<vmem>>
    %dma_wait3A_290 = tpu.memref_squeeze %dma_wait3A_289 : memref<1x8x2048xf32, #tpu.memory_space<vmem>> -> memref<8x2048xf32, #tpu.memory_space<vmem>>
    %dma_wait3A_291 = arith.constant 0 : i32
    %dma_wait3A_292 = tpu.memref_slice %arg4[%select_n3A, %add3A_285, %dma_wait3A_291] : memref<4x4096x2048xf32, #tpu.memory_space<hbm>> -> memref<1x8x2048xf32, #tpu.memory_space<hbm>>
    %dma_wait3A_293 = tpu.memref_squeeze %dma_wait3A_292 : memref<1x8x2048xf32, #tpu.memory_space<hbm>> -> memref<8x2048xf32, #tpu.memory_space<hbm>>
    %dma_wait3A_294 = arith.constant 0 : i32
    %dma_wait3A_295 = tpu.memref_slice %arg4[%select_n3A, %add3A_285, %dma_wait3A_294] : memref<4x4096x2048xf32, #tpu.memory_space<hbm>> -> memref<1x8x2048xf32, #tpu.memory_space<hbm>>
    %dma_wait3A_296 = tpu.memref_squeeze %dma_wait3A_295 : memref<1x8x2048xf32, #tpu.memory_space<hbm>> -> memref<8x2048xf32, #tpu.memory_space<hbm>>
    %dma_wait3A_297 = arith.constant 0 : i32
    %dma_wait3A_298 = arith.constant 0 : i32
    %dma_wait3A_299 = tpu.memref_slice %arg6[%dma_wait3A_286, %dma_wait3A_297, %dma_wait3A_298] : memref<6x8x2048xf32, #tpu.memory_space<vmem>> -> memref<1x8x2048xf32, #tpu.memory_space<vmem>>
    %dma_wait3A_300 = tpu.memref_squeeze %dma_wait3A_299 : memref<1x8x2048xf32, #tpu.memory_space<vmem>> -> memref<8x2048xf32, #tpu.memory_space<vmem>>
    tpu.wait_dma2 semaphore(%arg14 : memref<!tpu.dma_semaphore, #tpu.memory_space<semaphore_mem>>) src(%dma_wait3A_300 : memref<8x2048xf32, #tpu.memory_space<vmem>>) dst(%dma_wait3A_296 : memref<8x2048xf32, #tpu.memory_space<hbm>>)
    %dma_start3A_301 = arith.constant 1 : i32
    %dma_start3A_302 = arith.constant 0 : i32
    %dma_start3A_303 = arith.constant 0 : i32
    %dma_start3A_304 = tpu.memref_slice %arg6[%dma_start3A_301, %dma_start3A_302, %dma_start3A_303] : memref<6x8x2048xf32, #tpu.memory_space<vmem>> -> memref<1x8x2048xf32, #tpu.memory_space<vmem>>
    %dma_start3A_305 = tpu.memref_squeeze %dma_start3A_304 : memref<1x8x2048xf32, #tpu.memory_space<vmem>> -> memref<8x2048xf32, #tpu.memory_space<vmem>>
    %dma_start3A_306 = arith.constant 488 : i32
    %dma_start3A_307 = tpu.memref_slice %arg5[%dma_start3A_306] : memref<512xi32, #tpu.memory_space<vmem>> -> memref<8xi32, #tpu.memory_space<vmem>>
    %dma_start3A_308 = arith.constant 0 : i32
    %dma_start3A_309 = arith.constant 0 : i32
    %dma_start3A_310 = tpu.memref_slice %arg3[%dma_start3A_308, %dma_start3A_309] : memref<32000x2048xf32, #tpu.memory_space<hbm>> -> memref<32000x2048xf32, #tpu.memory_space<hbm>>
    tpu.enqueue_indirect_dma source(%dma_start3A_310 : memref<32000x2048xf32, #tpu.memory_space<hbm>>) target(%dma_start3A_305 : memref<8x2048xf32, #tpu.memory_space<vmem>>) offsets(%dma_start3A_307 : memref<8xi32, #tpu.memory_space<vmem>>) semaphore(%arg8 : memref<!tpu.dma_semaphore, #tpu.memory_space<semaphore_mem>>)
    %dma_wait3A_311 = arith.constant 0 : i32
    %dma_wait3A_312 = arith.constant 0 : i32
    %dma_wait3A_313 = arith.constant 0 : i32
    %dma_wait3A_314 = tpu.memref_slice %arg6[%dma_wait3A_311, %dma_wait3A_312, %dma_wait3A_313] : memref<6x8x2048xf32, #tpu.memory_space<vmem>> -> memref<1x8x2048xf32, #tpu.memory_space<vmem>>
    %dma_wait3A_315 = tpu.memref_squeeze %dma_wait3A_314 : memref<1x8x2048xf32, #tpu.memory_space<vmem>> -> memref<8x2048xf32, #tpu.memory_space<vmem>>
    %dma_wait3A_316 = arith.constant 480 : i32
    %dma_wait3A_317 = tpu.memref_slice %arg5[%dma_wait3A_316] : memref<512xi32, #tpu.memory_space<vmem>> -> memref<8xi32, #tpu.memory_space<vmem>>
    %dma_wait3A_318 = arith.constant 0 : i32
    %dma_wait3A_319 = arith.constant 0 : i32
    %dma_wait3A_320 = tpu.memref_slice %arg3[%dma_wait3A_318, %dma_wait3A_319] : memref<32000x2048xf32, #tpu.memory_space<hbm>> -> memref<32000x2048xf32, #tpu.memory_space<hbm>>
    tpu.wait_indirect_dma semaphore(%arg7 : memref<!tpu.dma_semaphore, #tpu.memory_space<semaphore_mem>>) src(%dma_wait3A_320 : memref<32000x2048xf32, #tpu.memory_space<hbm>>) dst(%dma_wait3A_315 : memref<8x2048xf32, #tpu.memory_space<vmem>>)
    %add3A_321 = arith.constant 480 : i32
    %add3A_322 = arith.addi %mul3A_32, %add3A_321 : i32
    %dma_start3A_323 = arith.constant 0 : i32
    %dma_start3A_324 = arith.constant 0 : i32
    %dma_start3A_325 = arith.constant 0 : i32
    %dma_start3A_326 = tpu.memref_slice %arg6[%dma_start3A_323, %dma_start3A_324, %dma_start3A_325] : memref<6x8x2048xf32, #tpu.memory_space<vmem>> -> memref<1x8x2048xf32, #tpu.memory_space<vmem>>
    %dma_start3A_327 = tpu.memref_squeeze %dma_start3A_326 : memref<1x8x2048xf32, #tpu.memory_space<vmem>> -> memref<8x2048xf32, #tpu.memory_space<vmem>>
    %dma_start3A_328 = arith.constant 0 : i32
    %dma_start3A_329 = tpu.memref_slice %arg4[%select_n3A, %add3A_322, %dma_start3A_328] : memref<4x4096x2048xf32, #tpu.memory_space<hbm>> -> memref<1x8x2048xf32, #tpu.memory_space<hbm>>
    %dma_start3A_330 = tpu.memref_squeeze %dma_start3A_329 : memref<1x8x2048xf32, #tpu.memory_space<hbm>> -> memref<8x2048xf32, #tpu.memory_space<hbm>>
    %dma_start3A_331 = arith.constant 0 : i32
    %dma_start3A_332 = tpu.memref_slice %arg4[%select_n3A, %add3A_322, %dma_start3A_331] : memref<4x4096x2048xf32, #tpu.memory_space<hbm>> -> memref<1x8x2048xf32, #tpu.memory_space<hbm>>
    %dma_start3A_333 = tpu.memref_squeeze %dma_start3A_332 : memref<1x8x2048xf32, #tpu.memory_space<hbm>> -> memref<8x2048xf32, #tpu.memory_space<hbm>>
    %dma_start3A_334 = arith.constant 0 : i32
    %dma_start3A_335 = arith.constant 0 : i32
    %dma_start3A_336 = tpu.memref_slice %arg6[%dma_start3A_323, %dma_start3A_334, %dma_start3A_335] : memref<6x8x2048xf32, #tpu.memory_space<vmem>> -> memref<1x8x2048xf32, #tpu.memory_space<vmem>>
    %dma_start3A_337 = tpu.memref_squeeze %dma_start3A_336 : memref<1x8x2048xf32, #tpu.memory_space<vmem>> -> memref<8x2048xf32, #tpu.memory_space<vmem>>
    tpu.enqueue_dma source(%dma_start3A_337 : memref<8x2048xf32, #tpu.memory_space<vmem>>) target(%dma_start3A_333 : memref<8x2048xf32, #tpu.memory_space<hbm>>) target_semaphore(%arg13 : memref<!tpu.dma_semaphore, #tpu.memory_space<semaphore_mem>>)
    %add3A_338 = arith.constant 448 : i32
    %add3A_339 = arith.addi %mul3A_32, %add3A_338 : i32
    %dma_wait3A_340 = arith.constant 2 : i32
    %dma_wait3A_341 = arith.constant 0 : i32
    %dma_wait3A_342 = arith.constant 0 : i32
    %dma_wait3A_343 = tpu.memref_slice %arg6[%dma_wait3A_340, %dma_wait3A_341, %dma_wait3A_342] : memref<6x8x2048xf32, #tpu.memory_space<vmem>> -> memref<1x8x2048xf32, #tpu.memory_space<vmem>>
    %dma_wait3A_344 = tpu.memref_squeeze %dma_wait3A_343 : memref<1x8x2048xf32, #tpu.memory_space<vmem>> -> memref<8x2048xf32, #tpu.memory_space<vmem>>
    %dma_wait3A_345 = arith.constant 0 : i32
    %dma_wait3A_346 = tpu.memref_slice %arg4[%select_n3A, %add3A_339, %dma_wait3A_345] : memref<4x4096x2048xf32, #tpu.memory_space<hbm>> -> memref<1x8x2048xf32, #tpu.memory_space<hbm>>
    %dma_wait3A_347 = tpu.memref_squeeze %dma_wait3A_346 : memref<1x8x2048xf32, #tpu.memory_space<hbm>> -> memref<8x2048xf32, #tpu.memory_space<hbm>>
    %dma_wait3A_348 = arith.constant 0 : i32
    %dma_wait3A_349 = tpu.memref_slice %arg4[%select_n3A, %add3A_339, %dma_wait3A_348] : memref<4x4096x2048xf32, #tpu.memory_space<hbm>> -> memref<1x8x2048xf32, #tpu.memory_space<hbm>>
    %dma_wait3A_350 = tpu.memref_squeeze %dma_wait3A_349 : memref<1x8x2048xf32, #tpu.memory_space<hbm>> -> memref<8x2048xf32, #tpu.memory_space<hbm>>
    %dma_wait3A_351 = arith.constant 0 : i32
    %dma_wait3A_352 = arith.constant 0 : i32
    %dma_wait3A_353 = tpu.memref_slice %arg6[%dma_wait3A_340, %dma_wait3A_351, %dma_wait3A_352] : memref<6x8x2048xf32, #tpu.memory_space<vmem>> -> memref<1x8x2048xf32, #tpu.memory_space<vmem>>
    %dma_wait3A_354 = tpu.memref_squeeze %dma_wait3A_353 : memref<1x8x2048xf32, #tpu.memory_space<vmem>> -> memref<8x2048xf32, #tpu.memory_space<vmem>>
    tpu.wait_dma2 semaphore(%arg15 : memref<!tpu.dma_semaphore, #tpu.memory_space<semaphore_mem>>) src(%dma_wait3A_354 : memref<8x2048xf32, #tpu.memory_space<vmem>>) dst(%dma_wait3A_350 : memref<8x2048xf32, #tpu.memory_space<hbm>>)
    %dma_start3A_355 = arith.constant 2 : i32
    %dma_start3A_356 = arith.constant 0 : i32
    %dma_start3A_357 = arith.constant 0 : i32
    %dma_start3A_358 = tpu.memref_slice %arg6[%dma_start3A_355, %dma_start3A_356, %dma_start3A_357] : memref<6x8x2048xf32, #tpu.memory_space<vmem>> -> memref<1x8x2048xf32, #tpu.memory_space<vmem>>
    %dma_start3A_359 = tpu.memref_squeeze %dma_start3A_358 : memref<1x8x2048xf32, #tpu.memory_space<vmem>> -> memref<8x2048xf32, #tpu.memory_space<vmem>>
    %dma_start3A_360 = arith.constant 496 : i32
    %dma_start3A_361 = tpu.memref_slice %arg5[%dma_start3A_360] : memref<512xi32, #tpu.memory_space<vmem>> -> memref<8xi32, #tpu.memory_space<vmem>>
    %dma_start3A_362 = arith.constant 0 : i32
    %dma_start3A_363 = arith.constant 0 : i32
    %dma_start3A_364 = tpu.memref_slice %arg3[%dma_start3A_362, %dma_start3A_363] : memref<32000x2048xf32, #tpu.memory_space<hbm>> -> memref<32000x2048xf32, #tpu.memory_space<hbm>>
    tpu.enqueue_indirect_dma source(%dma_start3A_364 : memref<32000x2048xf32, #tpu.memory_space<hbm>>) target(%dma_start3A_359 : memref<8x2048xf32, #tpu.memory_space<vmem>>) offsets(%dma_start3A_361 : memref<8xi32, #tpu.memory_space<vmem>>) semaphore(%arg9 : memref<!tpu.dma_semaphore, #tpu.memory_space<semaphore_mem>>)
    %dma_wait3A_365 = arith.constant 1 : i32
    %dma_wait3A_366 = arith.constant 0 : i32
    %dma_wait3A_367 = arith.constant 0 : i32
    %dma_wait3A_368 = tpu.memref_slice %arg6[%dma_wait3A_365, %dma_wait3A_366, %dma_wait3A_367] : memref<6x8x2048xf32, #tpu.memory_space<vmem>> -> memref<1x8x2048xf32, #tpu.memory_space<vmem>>
    %dma_wait3A_369 = tpu.memref_squeeze %dma_wait3A_368 : memref<1x8x2048xf32, #tpu.memory_space<vmem>> -> memref<8x2048xf32, #tpu.memory_space<vmem>>
    %dma_wait3A_370 = arith.constant 488 : i32
    %dma_wait3A_371 = tpu.memref_slice %arg5[%dma_wait3A_370] : memref<512xi32, #tpu.memory_space<vmem>> -> memref<8xi32, #tpu.memory_space<vmem>>
    %dma_wait3A_372 = arith.constant 0 : i32
    %dma_wait3A_373 = arith.constant 0 : i32
    %dma_wait3A_374 = tpu.memref_slice %arg3[%dma_wait3A_372, %dma_wait3A_373] : memref<32000x2048xf32, #tpu.memory_space<hbm>> -> memref<32000x2048xf32, #tpu.memory_space<hbm>>
    tpu.wait_indirect_dma semaphore(%arg8 : memref<!tpu.dma_semaphore, #tpu.memory_space<semaphore_mem>>) src(%dma_wait3A_374 : memref<32000x2048xf32, #tpu.memory_space<hbm>>) dst(%dma_wait3A_369 : memref<8x2048xf32, #tpu.memory_space<vmem>>)
    %add3A_375 = arith.constant 488 : i32
    %add3A_376 = arith.addi %mul3A_32, %add3A_375 : i32
    %dma_start3A_377 = arith.constant 1 : i32
    %dma_start3A_378 = arith.constant 0 : i32
    %dma_start3A_379 = arith.constant 0 : i32
    %dma_start3A_380 = tpu.memref_slice %arg6[%dma_start3A_377, %dma_start3A_378, %dma_start3A_379] : memref<6x8x2048xf32, #tpu.memory_space<vmem>> -> memref<1x8x2048xf32, #tpu.memory_space<vmem>>
    %dma_start3A_381 = tpu.memref_squeeze %dma_start3A_380 : memref<1x8x2048xf32, #tpu.memory_space<vmem>> -> memref<8x2048xf32, #tpu.memory_space<vmem>>
    %dma_start3A_382 = arith.constant 0 : i32
    %dma_start3A_383 = tpu.memref_slice %arg4[%select_n3A, %add3A_376, %dma_start3A_382] : memref<4x4096x2048xf32, #tpu.memory_space<hbm>> -> memref<1x8x2048xf32, #tpu.memory_space<hbm>>
    %dma_start3A_384 = tpu.memref_squeeze %dma_start3A_383 : memref<1x8x2048xf32, #tpu.memory_space<hbm>> -> memref<8x2048xf32, #tpu.memory_space<hbm>>
    %dma_start3A_385 = arith.constant 0 : i32
    %dma_start3A_386 = tpu.memref_slice %arg4[%select_n3A, %add3A_376, %dma_start3A_385] : memref<4x4096x2048xf32, #tpu.memory_space<hbm>> -> memref<1x8x2048xf32, #tpu.memory_space<hbm>>
    %dma_start3A_387 = tpu.memref_squeeze %dma_start3A_386 : memref<1x8x2048xf32, #tpu.memory_space<hbm>> -> memref<8x2048xf32, #tpu.memory_space<hbm>>
    %dma_start3A_388 = arith.constant 0 : i32
    %dma_start3A_389 = arith.constant 0 : i32
    %dma_start3A_390 = tpu.memref_slice %arg6[%dma_start3A_377, %dma_start3A_388, %dma_start3A_389] : memref<6x8x2048xf32, #tpu.memory_space<vmem>> -> memref<1x8x2048xf32, #tpu.memory_space<vmem>>
    %dma_start3A_391 = tpu.memref_squeeze %dma_start3A_390 : memref<1x8x2048xf32, #tpu.memory_space<vmem>> -> memref<8x2048xf32, #tpu.memory_space<vmem>>
    tpu.enqueue_dma source(%dma_start3A_391 : memref<8x2048xf32, #tpu.memory_space<vmem>>) target(%dma_start3A_387 : memref<8x2048xf32, #tpu.memory_space<hbm>>) target_semaphore(%arg14 : memref<!tpu.dma_semaphore, #tpu.memory_space<semaphore_mem>>)
    %add3A_392 = arith.constant 456 : i32
    %add3A_393 = arith.addi %mul3A_32, %add3A_392 : i32
    %dma_wait3A_394 = arith.constant 3 : i32
    %dma_wait3A_395 = arith.constant 0 : i32
    %dma_wait3A_396 = arith.constant 0 : i32
    %dma_wait3A_397 = tpu.memref_slice %arg6[%dma_wait3A_394, %dma_wait3A_395, %dma_wait3A_396] : memref<6x8x2048xf32, #tpu.memory_space<vmem>> -> memref<1x8x2048xf32, #tpu.memory_space<vmem>>
    %dma_wait3A_398 = tpu.memref_squeeze %dma_wait3A_397 : memref<1x8x2048xf32, #tpu.memory_space<vmem>> -> memref<8x2048xf32, #tpu.memory_space<vmem>>
    %dma_wait3A_399 = arith.constant 0 : i32
    %dma_wait3A_400 = tpu.memref_slice %arg4[%select_n3A, %add3A_393, %dma_wait3A_399] : memref<4x4096x2048xf32, #tpu.memory_space<hbm>> -> memref<1x8x2048xf32, #tpu.memory_space<hbm>>
    %dma_wait3A_401 = tpu.memref_squeeze %dma_wait3A_400 : memref<1x8x2048xf32, #tpu.memory_space<hbm>> -> memref<8x2048xf32, #tpu.memory_space<hbm>>
    %dma_wait3A_402 = arith.constant 0 : i32
    %dma_wait3A_403 = tpu.memref_slice %arg4[%select_n3A, %add3A_393, %dma_wait3A_402] : memref<4x4096x2048xf32, #tpu.memory_space<hbm>> -> memref<1x8x2048xf32, #tpu.memory_space<hbm>>
    %dma_wait3A_404 = tpu.memref_squeeze %dma_wait3A_403 : memref<1x8x2048xf32, #tpu.memory_space<hbm>> -> memref<8x2048xf32, #tpu.memory_space<hbm>>
    %dma_wait3A_405 = arith.constant 0 : i32
    %dma_wait3A_406 = arith.constant 0 : i32
    %dma_wait3A_407 = tpu.memref_slice %arg6[%dma_wait3A_394, %dma_wait3A_405, %dma_wait3A_406] : memref<6x8x2048xf32, #tpu.memory_space<vmem>> -> memref<1x8x2048xf32, #tpu.memory_space<vmem>>
    %dma_wait3A_408 = tpu.memref_squeeze %dma_wait3A_407 : memref<1x8x2048xf32, #tpu.memory_space<vmem>> -> memref<8x2048xf32, #tpu.memory_space<vmem>>
    tpu.wait_dma2 semaphore(%arg16 : memref<!tpu.dma_semaphore, #tpu.memory_space<semaphore_mem>>) src(%dma_wait3A_408 : memref<8x2048xf32, #tpu.memory_space<vmem>>) dst(%dma_wait3A_404 : memref<8x2048xf32, #tpu.memory_space<hbm>>)
    %dma_start3A_409 = arith.constant 3 : i32
    %dma_start3A_410 = arith.constant 0 : i32
    %dma_start3A_411 = arith.constant 0 : i32
    %dma_start3A_412 = tpu.memref_slice %arg6[%dma_start3A_409, %dma_start3A_410, %dma_start3A_411] : memref<6x8x2048xf32, #tpu.memory_space<vmem>> -> memref<1x8x2048xf32, #tpu.memory_space<vmem>>
    %dma_start3A_413 = tpu.memref_squeeze %dma_start3A_412 : memref<1x8x2048xf32, #tpu.memory_space<vmem>> -> memref<8x2048xf32, #tpu.memory_space<vmem>>
    %dma_start3A_414 = arith.constant 504 : i32
    %dma_start3A_415 = tpu.memref_slice %arg5[%dma_start3A_414] : memref<512xi32, #tpu.memory_space<vmem>> -> memref<8xi32, #tpu.memory_space<vmem>>
    %dma_start3A_416 = arith.constant 0 : i32
    %dma_start3A_417 = arith.constant 0 : i32
    %dma_start3A_418 = tpu.memref_slice %arg3[%dma_start3A_416, %dma_start3A_417] : memref<32000x2048xf32, #tpu.memory_space<hbm>> -> memref<32000x2048xf32, #tpu.memory_space<hbm>>
    tpu.enqueue_indirect_dma source(%dma_start3A_418 : memref<32000x2048xf32, #tpu.memory_space<hbm>>) target(%dma_start3A_413 : memref<8x2048xf32, #tpu.memory_space<vmem>>) offsets(%dma_start3A_415 : memref<8xi32, #tpu.memory_space<vmem>>) semaphore(%arg10 : memref<!tpu.dma_semaphore, #tpu.memory_space<semaphore_mem>>)
    %dma_wait3A_419 = arith.constant 2 : i32
    %dma_wait3A_420 = arith.constant 0 : i32
    %dma_wait3A_421 = arith.constant 0 : i32
    %dma_wait3A_422 = tpu.memref_slice %arg6[%dma_wait3A_419, %dma_wait3A_420, %dma_wait3A_421] : memref<6x8x2048xf32, #tpu.memory_space<vmem>> -> memref<1x8x2048xf32, #tpu.memory_space<vmem>>
    %dma_wait3A_423 = tpu.memref_squeeze %dma_wait3A_422 : memref<1x8x2048xf32, #tpu.memory_space<vmem>> -> memref<8x2048xf32, #tpu.memory_space<vmem>>
    %dma_wait3A_424 = arith.constant 496 : i32
    %dma_wait3A_425 = tpu.memref_slice %arg5[%dma_wait3A_424] : memref<512xi32, #tpu.memory_space<vmem>> -> memref<8xi32, #tpu.memory_space<vmem>>
    %dma_wait3A_426 = arith.constant 0 : i32
    %dma_wait3A_427 = arith.constant 0 : i32
    %dma_wait3A_428 = tpu.memref_slice %arg3[%dma_wait3A_426, %dma_wait3A_427] : memref<32000x2048xf32, #tpu.memory_space<hbm>> -> memref<32000x2048xf32, #tpu.memory_space<hbm>>
    tpu.wait_indirect_dma semaphore(%arg9 : memref<!tpu.dma_semaphore, #tpu.memory_space<semaphore_mem>>) src(%dma_wait3A_428 : memref<32000x2048xf32, #tpu.memory_space<hbm>>) dst(%dma_wait3A_423 : memref<8x2048xf32, #tpu.memory_space<vmem>>)
    %add3A_429 = arith.constant 496 : i32
    %add3A_430 = arith.addi %mul3A_32, %add3A_429 : i32
    %dma_start3A_431 = arith.constant 2 : i32
    %dma_start3A_432 = arith.constant 0 : i32
    %dma_start3A_433 = arith.constant 0 : i32
    %dma_start3A_434 = tpu.memref_slice %arg6[%dma_start3A_431, %dma_start3A_432, %dma_start3A_433] : memref<6x8x2048xf32, #tpu.memory_space<vmem>> -> memref<1x8x2048xf32, #tpu.memory_space<vmem>>
    %dma_start3A_435 = tpu.memref_squeeze %dma_start3A_434 : memref<1x8x2048xf32, #tpu.memory_space<vmem>> -> memref<8x2048xf32, #tpu.memory_space<vmem>>
    %dma_start3A_436 = arith.constant 0 : i32
    %dma_start3A_437 = tpu.memref_slice %arg4[%select_n3A, %add3A_430, %dma_start3A_436] : memref<4x4096x2048xf32, #tpu.memory_space<hbm>> -> memref<1x8x2048xf32, #tpu.memory_space<hbm>>
    %dma_start3A_438 = tpu.memref_squeeze %dma_start3A_437 : memref<1x8x2048xf32, #tpu.memory_space<hbm>> -> memref<8x2048xf32, #tpu.memory_space<hbm>>
    %dma_start3A_439 = arith.constant 0 : i32
    %dma_start3A_440 = tpu.memref_slice %arg4[%select_n3A, %add3A_430, %dma_start3A_439] : memref<4x4096x2048xf32, #tpu.memory_space<hbm>> -> memref<1x8x2048xf32, #tpu.memory_space<hbm>>
    %dma_start3A_441 = tpu.memref_squeeze %dma_start3A_440 : memref<1x8x2048xf32, #tpu.memory_space<hbm>> -> memref<8x2048xf32, #tpu.memory_space<hbm>>
    %dma_start3A_442 = arith.constant 0 : i32
    %dma_start3A_443 = arith.constant 0 : i32
    %dma_start3A_444 = tpu.memref_slice %arg6[%dma_start3A_431, %dma_start3A_442, %dma_start3A_443] : memref<6x8x2048xf32, #tpu.memory_space<vmem>> -> memref<1x8x2048xf32, #tpu.memory_space<vmem>>
    %dma_start3A_445 = tpu.memref_squeeze %dma_start3A_444 : memref<1x8x2048xf32, #tpu.memory_space<vmem>> -> memref<8x2048xf32, #tpu.memory_space<vmem>>
    tpu.enqueue_dma source(%dma_start3A_445 : memref<8x2048xf32, #tpu.memory_space<vmem>>) target(%dma_start3A_441 : memref<8x2048xf32, #tpu.memory_space<hbm>>) target_semaphore(%arg15 : memref<!tpu.dma_semaphore, #tpu.memory_space<semaphore_mem>>)
    %add3A_446 = arith.constant 464 : i32
    %add3A_447 = arith.addi %mul3A_32, %add3A_446 : i32
    %dma_wait3A_448 = arith.constant 4 : i32
    %dma_wait3A_449 = arith.constant 0 : i32
    %dma_wait3A_450 = arith.constant 0 : i32
    %dma_wait3A_451 = tpu.memref_slice %arg6[%dma_wait3A_448, %dma_wait3A_449, %dma_wait3A_450] : memref<6x8x2048xf32, #tpu.memory_space<vmem>> -> memref<1x8x2048xf32, #tpu.memory_space<vmem>>
    %dma_wait3A_452 = tpu.memref_squeeze %dma_wait3A_451 : memref<1x8x2048xf32, #tpu.memory_space<vmem>> -> memref<8x2048xf32, #tpu.memory_space<vmem>>
    %dma_wait3A_453 = arith.constant 0 : i32
    %dma_wait3A_454 = tpu.memref_slice %arg4[%select_n3A, %add3A_447, %dma_wait3A_453] : memref<4x4096x2048xf32, #tpu.memory_space<hbm>> -> memref<1x8x2048xf32, #tpu.memory_space<hbm>>
    %dma_wait3A_455 = tpu.memref_squeeze %dma_wait3A_454 : memref<1x8x2048xf32, #tpu.memory_space<hbm>> -> memref<8x2048xf32, #tpu.memory_space<hbm>>
    %dma_wait3A_456 = arith.constant 0 : i32
    %dma_wait3A_457 = tpu.memref_slice %arg4[%select_n3A, %add3A_447, %dma_wait3A_456] : memref<4x4096x2048xf32, #tpu.memory_space<hbm>> -> memref<1x8x2048xf32, #tpu.memory_space<hbm>>
    %dma_wait3A_458 = tpu.memref_squeeze %dma_wait3A_457 : memref<1x8x2048xf32, #tpu.memory_space<hbm>> -> memref<8x2048xf32, #tpu.memory_space<hbm>>
    %dma_wait3A_459 = arith.constant 0 : i32
    %dma_wait3A_460 = arith.constant 0 : i32
    %dma_wait3A_461 = tpu.memref_slice %arg6[%dma_wait3A_448, %dma_wait3A_459, %dma_wait3A_460] : memref<6x8x2048xf32, #tpu.memory_space<vmem>> -> memref<1x8x2048xf32, #tpu.memory_space<vmem>>
    %dma_wait3A_462 = tpu.memref_squeeze %dma_wait3A_461 : memref<1x8x2048xf32, #tpu.memory_space<vmem>> -> memref<8x2048xf32, #tpu.memory_space<vmem>>
    tpu.wait_dma2 semaphore(%arg17 : memref<!tpu.dma_semaphore, #tpu.memory_space<semaphore_mem>>) src(%dma_wait3A_462 : memref<8x2048xf32, #tpu.memory_space<vmem>>) dst(%dma_wait3A_458 : memref<8x2048xf32, #tpu.memory_space<hbm>>)
    %dma_wait3A_463 = arith.constant 3 : i32
    %dma_wait3A_464 = arith.constant 0 : i32
    %dma_wait3A_465 = arith.constant 0 : i32
    %dma_wait3A_466 = tpu.memref_slice %arg6[%dma_wait3A_463, %dma_wait3A_464, %dma_wait3A_465] : memref<6x8x2048xf32, #tpu.memory_space<vmem>> -> memref<1x8x2048xf32, #tpu.memory_space<vmem>>
    %dma_wait3A_467 = tpu.memref_squeeze %dma_wait3A_466 : memref<1x8x2048xf32, #tpu.memory_space<vmem>> -> memref<8x2048xf32, #tpu.memory_space<vmem>>
    %dma_wait3A_468 = arith.constant 504 : i32
    %dma_wait3A_469 = tpu.memref_slice %arg5[%dma_wait3A_468] : memref<512xi32, #tpu.memory_space<vmem>> -> memref<8xi32, #tpu.memory_space<vmem>>
    %dma_wait3A_470 = arith.constant 0 : i32
    %dma_wait3A_471 = arith.constant 0 : i32
    %dma_wait3A_472 = tpu.memref_slice %arg3[%dma_wait3A_470, %dma_wait3A_471] : memref<32000x2048xf32, #tpu.memory_space<hbm>> -> memref<32000x2048xf32, #tpu.memory_space<hbm>>
    tpu.wait_indirect_dma semaphore(%arg10 : memref<!tpu.dma_semaphore, #tpu.memory_space<semaphore_mem>>) src(%dma_wait3A_472 : memref<32000x2048xf32, #tpu.memory_space<hbm>>) dst(%dma_wait3A_467 : memref<8x2048xf32, #tpu.memory_space<vmem>>)
    %add3A_473 = arith.constant 504 : i32
    %add3A_474 = arith.addi %mul3A_32, %add3A_473 : i32
    %dma_start3A_475 = arith.constant 3 : i32
    %dma_start3A_476 = arith.constant 0 : i32
    %dma_start3A_477 = arith.constant 0 : i32
    %dma_start3A_478 = tpu.memref_slice %arg6[%dma_start3A_475, %dma_start3A_476, %dma_start3A_477] : memref<6x8x2048xf32, #tpu.memory_space<vmem>> -> memref<1x8x2048xf32, #tpu.memory_space<vmem>>
    %dma_start3A_479 = tpu.memref_squeeze %dma_start3A_478 : memref<1x8x2048xf32, #tpu.memory_space<vmem>> -> memref<8x2048xf32, #tpu.memory_space<vmem>>
    %dma_start3A_480 = arith.constant 0 : i32
    %dma_start3A_481 = tpu.memref_slice %arg4[%select_n3A, %add3A_474, %dma_start3A_480] : memref<4x4096x2048xf32, #tpu.memory_space<hbm>> -> memref<1x8x2048xf32, #tpu.memory_space<hbm>>
    %dma_start3A_482 = tpu.memref_squeeze %dma_start3A_481 : memref<1x8x2048xf32, #tpu.memory_space<hbm>> -> memref<8x2048xf32, #tpu.memory_space<hbm>>
    %dma_start3A_483 = arith.constant 0 : i32
    %dma_start3A_484 = tpu.memref_slice %arg4[%select_n3A, %add3A_474, %dma_start3A_483] : memref<4x4096x2048xf32, #tpu.memory_space<hbm>> -> memref<1x8x2048xf32, #tpu.memory_space<hbm>>
    %dma_start3A_485 = tpu.memref_squeeze %dma_start3A_484 : memref<1x8x2048xf32, #tpu.memory_space<hbm>> -> memref<8x2048xf32, #tpu.memory_space<hbm>>
    %dma_start3A_486 = arith.constant 0 : i32
    %dma_start3A_487 = arith.constant 0 : i32
    %dma_start3A_488 = tpu.memref_slice %arg6[%dma_start3A_475, %dma_start3A_486, %dma_start3A_487] : memref<6x8x2048xf32, #tpu.memory_space<vmem>> -> memref<1x8x2048xf32, #tpu.memory_space<vmem>>
    %dma_start3A_489 = tpu.memref_squeeze %dma_start3A_488 : memref<1x8x2048xf32, #tpu.memory_space<vmem>> -> memref<8x2048xf32, #tpu.memory_space<vmem>>
    tpu.enqueue_dma source(%dma_start3A_489 : memref<8x2048xf32, #tpu.memory_space<vmem>>) target(%dma_start3A_485 : memref<8x2048xf32, #tpu.memory_space<hbm>>) target_semaphore(%arg16 : memref<!tpu.dma_semaphore, #tpu.memory_space<semaphore_mem>>)
    %add3A_490 = arith.constant 472 : i32
    %add3A_491 = arith.addi %mul3A_32, %add3A_490 : i32
    %dma_wait3A_492 = arith.constant 5 : i32
    %dma_wait3A_493 = arith.constant 0 : i32
    %dma_wait3A_494 = arith.constant 0 : i32
    %dma_wait3A_495 = tpu.memref_slice %arg6[%dma_wait3A_492, %dma_wait3A_493, %dma_wait3A_494] : memref<6x8x2048xf32, #tpu.memory_space<vmem>> -> memref<1x8x2048xf32, #tpu.memory_space<vmem>>
    %dma_wait3A_496 = tpu.memref_squeeze %dma_wait3A_495 : memref<1x8x2048xf32, #tpu.memory_space<vmem>> -> memref<8x2048xf32, #tpu.memory_space<vmem>>
    %dma_wait3A_497 = arith.constant 0 : i32
    %dma_wait3A_498 = tpu.memref_slice %arg4[%select_n3A, %add3A_491, %dma_wait3A_497] : memref<4x4096x2048xf32, #tpu.memory_space<hbm>> -> memref<1x8x2048xf32, #tpu.memory_space<hbm>>
    %dma_wait3A_499 = tpu.memref_squeeze %dma_wait3A_498 : memref<1x8x2048xf32, #tpu.memory_space<hbm>> -> memref<8x2048xf32, #tpu.memory_space<hbm>>
    %dma_wait3A_500 = arith.constant 0 : i32
    %dma_wait3A_501 = tpu.memref_slice %arg4[%select_n3A, %add3A_491, %dma_wait3A_500] : memref<4x4096x2048xf32, #tpu.memory_space<hbm>> -> memref<1x8x2048xf32, #tpu.memory_space<hbm>>
    %dma_wait3A_502 = tpu.memref_squeeze %dma_wait3A_501 : memref<1x8x2048xf32, #tpu.memory_space<hbm>> -> memref<8x2048xf32, #tpu.memory_space<hbm>>
    %dma_wait3A_503 = arith.constant 0 : i32
    %dma_wait3A_504 = arith.constant 0 : i32
    %dma_wait3A_505 = tpu.memref_slice %arg6[%dma_wait3A_492, %dma_wait3A_503, %dma_wait3A_504] : memref<6x8x2048xf32, #tpu.memory_space<vmem>> -> memref<1x8x2048xf32, #tpu.memory_space<vmem>>
    %dma_wait3A_506 = tpu.memref_squeeze %dma_wait3A_505 : memref<1x8x2048xf32, #tpu.memory_space<vmem>> -> memref<8x2048xf32, #tpu.memory_space<vmem>>
    tpu.wait_dma2 semaphore(%arg18 : memref<!tpu.dma_semaphore, #tpu.memory_space<semaphore_mem>>) src(%dma_wait3A_506 : memref<8x2048xf32, #tpu.memory_space<vmem>>) dst(%dma_wait3A_502 : memref<8x2048xf32, #tpu.memory_space<hbm>>)
    %add3A_507 = arith.constant 480 : i32
    %add3A_508 = arith.addi %mul3A_32, %add3A_507 : i32
    %dma_wait3A_509 = arith.constant 0 : i32
    %dma_wait3A_510 = arith.constant 0 : i32
    %dma_wait3A_511 = arith.constant 0 : i32
    %dma_wait3A_512 = tpu.memref_slice %arg6[%dma_wait3A_509, %dma_wait3A_510, %dma_wait3A_511] : memref<6x8x2048xf32, #tpu.memory_space<vmem>> -> memref<1x8x2048xf32, #tpu.memory_space<vmem>>
    %dma_wait3A_513 = tpu.memref_squeeze %dma_wait3A_512 : memref<1x8x2048xf32, #tpu.memory_space<vmem>> -> memref<8x2048xf32, #tpu.memory_space<vmem>>
    %dma_wait3A_514 = arith.constant 0 : i32
    %dma_wait3A_515 = tpu.memref_slice %arg4[%select_n3A, %add3A_508, %dma_wait3A_514] : memref<4x4096x2048xf32, #tpu.memory_space<hbm>> -> memref<1x8x2048xf32, #tpu.memory_space<hbm>>
    %dma_wait3A_516 = tpu.memref_squeeze %dma_wait3A_515 : memref<1x8x2048xf32, #tpu.memory_space<hbm>> -> memref<8x2048xf32, #tpu.memory_space<hbm>>
    %dma_wait3A_517 = arith.constant 0 : i32
    %dma_wait3A_518 = tpu.memref_slice %arg4[%select_n3A, %add3A_508, %dma_wait3A_517] : memref<4x4096x2048xf32, #tpu.memory_space<hbm>> -> memref<1x8x2048xf32, #tpu.memory_space<hbm>>
    %dma_wait3A_519 = tpu.memref_squeeze %dma_wait3A_518 : memref<1x8x2048xf32, #tpu.memory_space<hbm>> -> memref<8x2048xf32, #tpu.memory_space<hbm>>
    %dma_wait3A_520 = arith.constant 0 : i32
    %dma_wait3A_521 = arith.constant 0 : i32
    %dma_wait3A_522 = tpu.memref_slice %arg6[%dma_wait3A_509, %dma_wait3A_520, %dma_wait3A_521] : memref<6x8x2048xf32, #tpu.memory_space<vmem>> -> memref<1x8x2048xf32, #tpu.memory_space<vmem>>
    %dma_wait3A_523 = tpu.memref_squeeze %dma_wait3A_522 : memref<1x8x2048xf32, #tpu.memory_space<vmem>> -> memref<8x2048xf32, #tpu.memory_space<vmem>>
    tpu.wait_dma2 semaphore(%arg13 : memref<!tpu.dma_semaphore, #tpu.memory_space<semaphore_mem>>) src(%dma_wait3A_523 : memref<8x2048xf32, #tpu.memory_space<vmem>>) dst(%dma_wait3A_519 : memref<8x2048xf32, #tpu.memory_space<hbm>>)
    %add3A_524 = arith.constant 488 : i32
    %add3A_525 = arith.addi %mul3A_32, %add3A_524 : i32
    %dma_wait3A_526 = arith.constant 1 : i32
    %dma_wait3A_527 = arith.constant 0 : i32
    %dma_wait3A_528 = arith.constant 0 : i32
    %dma_wait3A_529 = tpu.memref_slice %arg6[%dma_wait3A_526, %dma_wait3A_527, %dma_wait3A_528] : memref<6x8x2048xf32, #tpu.memory_space<vmem>> -> memref<1x8x2048xf32, #tpu.memory_space<vmem>>
    %dma_wait3A_530 = tpu.memref_squeeze %dma_wait3A_529 : memref<1x8x2048xf32, #tpu.memory_space<vmem>> -> memref<8x2048xf32, #tpu.memory_space<vmem>>
    %dma_wait3A_531 = arith.constant 0 : i32
    %dma_wait3A_532 = tpu.memref_slice %arg4[%select_n3A, %add3A_525, %dma_wait3A_531] : memref<4x4096x2048xf32, #tpu.memory_space<hbm>> -> memref<1x8x2048xf32, #tpu.memory_space<hbm>>
    %dma_wait3A_533 = tpu.memref_squeeze %dma_wait3A_532 : memref<1x8x2048xf32, #tpu.memory_space<hbm>> -> memref<8x2048xf32, #tpu.memory_space<hbm>>
    %dma_wait3A_534 = arith.constant 0 : i32
    %dma_wait3A_535 = tpu.memref_slice %arg4[%select_n3A, %add3A_525, %dma_wait3A_534] : memref<4x4096x2048xf32, #tpu.memory_space<hbm>> -> memref<1x8x2048xf32, #tpu.memory_space<hbm>>
    %dma_wait3A_536 = tpu.memref_squeeze %dma_wait3A_535 : memref<1x8x2048xf32, #tpu.memory_space<hbm>> -> memref<8x2048xf32, #tpu.memory_space<hbm>>
    %dma_wait3A_537 = arith.constant 0 : i32
    %dma_wait3A_538 = arith.constant 0 : i32
    %dma_wait3A_539 = tpu.memref_slice %arg6[%dma_wait3A_526, %dma_wait3A_537, %dma_wait3A_538] : memref<6x8x2048xf32, #tpu.memory_space<vmem>> -> memref<1x8x2048xf32, #tpu.memory_space<vmem>>
    %dma_wait3A_540 = tpu.memref_squeeze %dma_wait3A_539 : memref<1x8x2048xf32, #tpu.memory_space<vmem>> -> memref<8x2048xf32, #tpu.memory_space<vmem>>
    tpu.wait_dma2 semaphore(%arg14 : memref<!tpu.dma_semaphore, #tpu.memory_space<semaphore_mem>>) src(%dma_wait3A_540 : memref<8x2048xf32, #tpu.memory_space<vmem>>) dst(%dma_wait3A_536 : memref<8x2048xf32, #tpu.memory_space<hbm>>)
    %add3A_541 = arith.constant 496 : i32
    %add3A_542 = arith.addi %mul3A_32, %add3A_541 : i32
    %dma_wait3A_543 = arith.constant 2 : i32
    %dma_wait3A_544 = arith.constant 0 : i32
    %dma_wait3A_545 = arith.constant 0 : i32
    %dma_wait3A_546 = tpu.memref_slice %arg6[%dma_wait3A_543, %dma_wait3A_544, %dma_wait3A_545] : memref<6x8x2048xf32, #tpu.memory_space<vmem>> -> memref<1x8x2048xf32, #tpu.memory_space<vmem>>
    %dma_wait3A_547 = tpu.memref_squeeze %dma_wait3A_546 : memref<1x8x2048xf32, #tpu.memory_space<vmem>> -> memref<8x2048xf32, #tpu.memory_space<vmem>>
    %dma_wait3A_548 = arith.constant 0 : i32
    %dma_wait3A_549 = tpu.memref_slice %arg4[%select_n3A, %add3A_542, %dma_wait3A_548] : memref<4x4096x2048xf32, #tpu.memory_space<hbm>> -> memref<1x8x2048xf32, #tpu.memory_space<hbm>>
    %dma_wait3A_550 = tpu.memref_squeeze %dma_wait3A_549 : memref<1x8x2048xf32, #tpu.memory_space<hbm>> -> memref<8x2048xf32, #tpu.memory_space<hbm>>
    %dma_wait3A_551 = arith.constant 0 : i32
    %dma_wait3A_552 = tpu.memref_slice %arg4[%select_n3A, %add3A_542, %dma_wait3A_551] : memref<4x4096x2048xf32, #tpu.memory_space<hbm>> -> memref<1x8x2048xf32, #tpu.memory_space<hbm>>
    %dma_wait3A_553 = tpu.memref_squeeze %dma_wait3A_552 : memref<1x8x2048xf32, #tpu.memory_space<hbm>> -> memref<8x2048xf32, #tpu.memory_space<hbm>>
    %dma_wait3A_554 = arith.constant 0 : i32
    %dma_wait3A_555 = arith.constant 0 : i32
    %dma_wait3A_556 = tpu.memref_slice %arg6[%dma_wait3A_543, %dma_wait3A_554, %dma_wait3A_555] : memref<6x8x2048xf32, #tpu.memory_space<vmem>> -> memref<1x8x2048xf32, #tpu.memory_space<vmem>>
    %dma_wait3A_557 = tpu.memref_squeeze %dma_wait3A_556 : memref<1x8x2048xf32, #tpu.memory_space<vmem>> -> memref<8x2048xf32, #tpu.memory_space<vmem>>
    tpu.wait_dma2 semaphore(%arg15 : memref<!tpu.dma_semaphore, #tpu.memory_space<semaphore_mem>>) src(%dma_wait3A_557 : memref<8x2048xf32, #tpu.memory_space<vmem>>) dst(%dma_wait3A_553 : memref<8x2048xf32, #tpu.memory_space<hbm>>)
    %add3A_558 = arith.constant 504 : i32
    %add3A_559 = arith.addi %mul3A_32, %add3A_558 : i32
    %dma_wait3A_560 = arith.constant 3 : i32
    %dma_wait3A_561 = arith.constant 0 : i32
    %dma_wait3A_562 = arith.constant 0 : i32
    %dma_wait3A_563 = tpu.memref_slice %arg6[%dma_wait3A_560, %dma_wait3A_561, %dma_wait3A_562] : memref<6x8x2048xf32, #tpu.memory_space<vmem>> -> memref<1x8x2048xf32, #tpu.memory_space<vmem>>
    %dma_wait3A_564 = tpu.memref_squeeze %dma_wait3A_563 : memref<1x8x2048xf32, #tpu.memory_space<vmem>> -> memref<8x2048xf32, #tpu.memory_space<vmem>>
    %dma_wait3A_565 = arith.constant 0 : i32
    %dma_wait3A_566 = tpu.memref_slice %arg4[%select_n3A, %add3A_559, %dma_wait3A_565] : memref<4x4096x2048xf32, #tpu.memory_space<hbm>> -> memref<1x8x2048xf32, #tpu.memory_space<hbm>>
    %dma_wait3A_567 = tpu.memref_squeeze %dma_wait3A_566 : memref<1x8x2048xf32, #tpu.memory_space<hbm>> -> memref<8x2048xf32, #tpu.memory_space<hbm>>
    %dma_wait3A_568 = arith.constant 0 : i32
    %dma_wait3A_569 = tpu.memref_slice %arg4[%select_n3A, %add3A_559, %dma_wait3A_568] : memref<4x4096x2048xf32, #tpu.memory_space<hbm>> -> memref<1x8x2048xf32, #tpu.memory_space<hbm>>
    %dma_wait3A_570 = tpu.memref_squeeze %dma_wait3A_569 : memref<1x8x2048xf32, #tpu.memory_space<hbm>> -> memref<8x2048xf32, #tpu.memory_space<hbm>>
    %dma_wait3A_571 = arith.constant 0 : i32
    %dma_wait3A_572 = arith.constant 0 : i32
    %dma_wait3A_573 = tpu.memref_slice %arg6[%dma_wait3A_560, %dma_wait3A_571, %dma_wait3A_572] : memref<6x8x2048xf32, #tpu.memory_space<vmem>> -> memref<1x8x2048xf32, #tpu.memory_space<vmem>>
    %dma_wait3A_574 = tpu.memref_squeeze %dma_wait3A_573 : memref<1x8x2048xf32, #tpu.memory_space<vmem>> -> memref<8x2048xf32, #tpu.memory_space<vmem>>
    tpu.wait_dma2 semaphore(%arg16 : memref<!tpu.dma_semaphore, #tpu.memory_space<semaphore_mem>>) src(%dma_wait3A_574 : memref<8x2048xf32, #tpu.memory_space<vmem>>) dst(%dma_wait3A_570 : memref<8x2048xf32, #tpu.memory_space<hbm>>)
    return
  }
}

module attributes {stable_mosaic.version = 14 : i64} {
  func.func @_mask_freqs_body(%arg0: i32, %arg1: memref<256x4096xf32, #tpu.memory_space<vmem>>, %arg2: memref<256x128xf32, #tpu.memory_space<vmem>>) attributes {dimension_semantics = [#tpu.dimension_semantics<arbitrary>], iteration_bounds = array<i64: 16>, scalar_prefetch = 0 : i64, scratch_operands = 0 : i64, tpu.core_type = #tpu.core_type<tc>, window_params = [{transform_indices = @transform_0, window_bounds = array<i64: 256, 4096>}, {transform_indices = @transform_1, window_bounds = array<i64: 256, 128>}]} {
    %iota3A = tpu.iota {dimensions = array<i32: 0>} : vector<256x4096xi32>
    %mul3A = arith.constant 256 : i32
    %mul3A_0 = arith.muli %arg0, %mul3A : i32
    %add3A = vector.broadcast %mul3A_0 : i32 to vector<256x4096xi32>
    %add3A_1 = arith.addi %iota3A, %add3A : vector<256x4096xi32>
    %iota3A_2 = tpu.iota {dimensions = array<i32: 1>} : vector<256x4096xi32>
    %gt3A = arith.cmpi sgt, %iota3A_2, %add3A_1 : vector<256x4096xi32>
    %jit3A = arith.constant 0xFF800000 : f32
    %jit3A_3 = arith.constant 0.000000e+00 : f32
    %broadcast_in_dim3A = vector.broadcast %jit3A : f32 to vector<256x4096xf32>
    %broadcast_in_dim3A_4 = vector.broadcast %jit3A_3 : f32 to vector<256x4096xf32>
    %select_n3A = arith.select %gt3A, %broadcast_in_dim3A, %broadcast_in_dim3A_4 : vector<256x4096xi1>, vector<256x4096xf32>
    %swap3A = arith.constant 0 : index
    %swap3A_5 = arith.constant 0 : index
    %swap3A_6 = vector.load %arg1[%swap3A, %swap3A_5] : memref<256x4096xf32, #tpu.memory_space<vmem>>, vector<256x4096xf32>
    tpu.vector_store %arg1[%swap3A, %swap3A_5], %select_n3A {strides = array<i32>} : memref<256x4096xf32, #tpu.memory_space<vmem>>, vector<256x4096xf32>,
    %iota3A_7 = tpu.iota {dimensions = array<i32: 0>} : vector<256x128xi32>
    %mul3A_8 = arith.constant 256 : i32
    %mul3A_9 = arith.muli %arg0, %mul3A_8 : i32
    %add3A_10 = vector.broadcast %mul3A_9 : i32 to vector<256x128xi32>
    %add3A_11 = arith.addi %iota3A_7, %add3A_10 : vector<256x128xi32>
    %convert_element_type3A = arith.sitofp %add3A_11 : vector<256x128xi32> to vector<256x128xf32>
    %iota3A_12 = tpu.iota {dimensions = array<i32: 1>} : vector<256x128xi32>
    %lt3A = arith.constant 64 : i32
    %lt3A_13 = vector.broadcast %lt3A : i32 to vector<256x128xi32>
    %lt3A_14 = arith.cmpi slt, %iota3A_12, %lt3A_13 : vector<256x128xi32>
    %sub3A = arith.constant 64 : i32
    %sub3A_15 = vector.broadcast %sub3A : i32 to vector<256x128xi32>
    %sub3A_16 = arith.subi %iota3A_12, %sub3A_15 : vector<256x128xi32>
    %select_n3A_17 = arith.select %lt3A_14, %iota3A_12, %sub3A_16 : vector<256x128xi1>, vector<256x128xi32>
    %convert_element_type3A_18 = arith.sitofp %select_n3A_17 : vector<256x128xi32> to vector<256x128xf32>
    %mul3A_19 = arith.constant -0.14391157 : f32
    %mul3A_20 = vector.broadcast %mul3A_19 : f32 to vector<256x128xf32>
    %mul3A_21 = arith.mulf %convert_element_type3A_18, %mul3A_20 : vector<256x128xf32>
    %exp3A = math.exp %mul3A_21 : vector<256x128xf32>
    %lt3A_22 = arith.constant 64 : i32
    %lt3A_23 = vector.broadcast %lt3A_22 : i32 to vector<256x128xi32>
    %lt3A_24 = arith.cmpi slt, %iota3A_12, %lt3A_23 : vector<256x128xi32>
    %jit3A_25 = arith.constant 0.000000e+00 : f32
    %jit3A_26 = arith.constant 1.57079637 : f32
    %broadcast_in_dim3A_27 = vector.broadcast %jit3A_25 : f32 to vector<256x128xf32>
    %broadcast_in_dim3A_28 = vector.broadcast %jit3A_26 : f32 to vector<256x128xf32>
    %select_n3A_29 = arith.select %lt3A_24, %broadcast_in_dim3A_27, %broadcast_in_dim3A_28 : vector<256x128xi1>, vector<256x128xf32>
    %mul3A_30 = arith.mulf %convert_element_type3A, %exp3A : vector<256x128xf32>
    %sub3A_31 = arith.subf %mul3A_30, %select_n3A_29 : vector<256x128xf32>
    %cos3A = math.cos %sub3A_31 : vector<256x128xf32>
    %swap3A_32 = arith.constant 0 : index
    %swap3A_33 = arith.constant 0 : index
    %swap3A_34 = vector.load %arg2[%swap3A_32, %swap3A_33] : memref<256x128xf32, #tpu.memory_space<vmem>>, vector<256x128xf32>
    tpu.vector_store %arg2[%swap3A_32, %swap3A_33], %cos3A {strides = array<i32>} : memref<256x128xf32, #tpu.memory_space<vmem>>, vector<256x128xf32>,
    return
  }
  func.func @transform_0(%arg0: i32) -> (i32, i32) {
    %c0_i32 = arith.constant 0 : i32
    %c0_i32_0 = arith.constant 0 : i32
    return %arg0, %c0_i32 : i32, i32
  }
  func.func @transform_1(%arg0: i32) -> (i32, i32) {
    %c0_i32 = arith.constant 0 : i32
    %c0_i32_0 = arith.constant 0 : i32
    return %arg0, %c0_i32 : i32, i32
  }
}

</mosaic_0001>

<sc_bundles>
// kernel: kernel.4.cloned.1.call-start
scs
__scs_entry_jumppad:
0x0: {  	(pc) =	sbr.rel $0x88, $3  }
0x1: {  	(tag) =	ssettag $0x0;
	lr =	simm.s32 $0x1  }
0x2: {  	[smem:$0x3F9E] =	sst lr;
	_ =	strace $0xD0000000  }
0x3: {  	_ = 	snop  }
0x4: {  	_ = 	snop  }
0x5: {  	_ = 	snop  }
0x6: {  	_ = 	snop  }
0x7: {  	_ = 	snop  }
__scs_overlays_trampoline_lowered:
0x8: {  	[smem:$0x3FAD] =	sst s0  }
0x9: {  	[smem:$0x3FAE] =	sst s1  }
0xa: {  	[smem:$0x3FAF] =	sst s2  }
0xb: {  	[smem:$0x3FB0] =	sst s3  }
0xc: {  	[smem:$0x3FB1] =	sst s4  }
0xd: {  	[smem:$0x3FB2] =	sst s5  }
0xe: {  	[smem:$0x3FB3] =	sst s6  }
0xf: {  	[smem:$0x3FB4] =	sst s7  }
0x10: {  	[smem:$0x3FB5] =	sst s8  }
0x11: {  	[smem:$0x3FB6] =	sst s9;
	s0 =	simm.s32 @!p0 $0x0  }
0x12: {  	s1 =	sld [smem:$0x3F9C];
	s0 =	simm.s32 @p0 $0x1  }
0x13: {  	[smem:$0x3FB7] =	sst s0;
	s0 =	simm.s32 @!p1 $0x0  }
0x14: {  	s2 =	sld [smem:$0x3F9B];
	s0 =	simm.s32 @p1 $0x1  }
0x15: {  	[smem:$0x3FB8] =	sst s0;
	s0 =	simm.s32 @!p2 $0x0  }
0x16: {  	s3 =	sld [smem:$0x3FDB];
	s0 =	simm.s32 @p2 $0x1  }
0x17: {  	s4 =	simm.s32 $0x1BF5;
	[smem:$0x3FBA] =	sst s0  }
0x18: {  	s0 =	sld [smem:$0x3F9D];
	_ =	swait.ge [sflag:s4], $0x0  }
0x19: {  	s7 =	sld [smem:$0x3F9E]  }
0x1a: {  	s8 =	sadd.s32 $0xFFFFE003, lr  }
0x1b: {  	s9 =	sadd.s32 $0xFFFFFEF7, lr;
	s5 =	simm.s32 $0xFFFFFFFF;
	p2 =	slt.u32 s8, $0xFFFFF086  }
0x1c: {  	p1 =	slt.u32 s9, $0xF7A;
	s5 =	simm.s32 @!p2 $0x0  }
0x1d: {  	s5 =	simm.s32 @p1 $0x1;
	p0 =	seq.s32 s7, s2  }
0x1e: {  	s7 =	smul.u32 @!p0 $0xF7A, s2;
	p2 =	seq.s32 @!p0 s5, $0x0  }
0x1f: {  	s9 =	smul.u32 $0xF7A, s1;
	s8 =	simm.s32 @!p0 $0x1BF5;
	p2 =	por !p2, p0  }
0x20: {  	[sflag:s8] =	ssyncset.s32 @!p0 $0xFFFFF086;
	s6 =	sadd.s32 @!p0 s3, s7;
	s7 =	simm.s32 @!p0 $0x108  }
0x21: {  	s3 =	sadd.s32 s3, s9;
	s6 =	sadd.s32 @!p0 $0x88, s6;
	s7 =	simm.s32 @p2 $0x1082  }
0x22: {  	[simem:s7], [sflag:s8] =	dma.local @!p0 [hbm:s6], $0xF7A  }
0x23: {  	s9 =	sor.u32 $0xD0000000, s2;
	s6 =	simm.s32 $0x108;
	_ =	swait.ge @!p0 [sflag:s8], $0x0  }
0x24: {  	s3 =	sadd.s32 $0x88, s3;
	s6 =	simm.s32 @!p1 $0x1082;
	[sflag:s4] =	ssyncset.s32 $0xFFFFF086  }
0x25: {  	[simem:s6], [sflag:s4] =	dma.local [hbm:s3], $0xF7A  }
0x26: {  	[smem:$0x3F9E] =	sst s1;
	(tag) =	ssettag s2;
	_ =	strace s9  }
0x27: {  	s1 =	sld [smem:$0x3FAE]  }
0x28: {  	s2 =	sld [smem:$0x3FAF]  }
0x29: {  	s4 =	sld [smem:$0x3FB1]  }
0x2a: {  	p0 =	seq.s32 s5, $0x0;
	s5 =	sld [smem:$0x3FB2]  }
0x2b: {  	s6 =	sld [smem:$0x3FB3]  }
0x2c: {  	s7 =	sld [smem:$0x3FB4]  }
0x2d: {  	s3 =	simm.s32 $0x108;
	s8 =	sld [smem:$0x3FB5]  }
0x2e: {  	s3 =	simm.s32 @!p0 $0x1082;
	s9 =	sld [smem:$0x3FB6]  }
0x2f: {  	lr =	sadd.s32 s0, s3;
	s0 =	sld [smem:$0x3FAD]  }
0x30: {  	s3 =	sld [smem:$0x3FB0]  }
0x31: {  	[smem:$0x3FB9] =	sst s10  }
0x32: {  	s10 =	sld [smem:$0x3FB7];
	_ =	sdelay $0x3  }
0x33: {  	p0 =	seq.s32 s10, $0x1;
	s10 =	sld [smem:$0x3FB9];
	_ =	sdelay $0x3  }
0x34: {  	[smem:$0x3FB9] =	sst s10  }
0x35: {  	s10 =	sld [smem:$0x3FB8];
	_ =	sdelay $0x3  }
0x36: {  	p1 =	seq.s32 s10, $0x1;
	s10 =	sld [smem:$0x3FB9];
	_ =	sdelay $0x3  }
0x37: {  	[smem:$0x3FB9] =	sst s10  }
0x38: {  	s10 =	sld [smem:$0x3FBA]  }
0x39: {  	_ = 	snop;
	(pc) =	sbr.ind lr, $3  }
0x3a: {  	_ = 	snop  }
0x3b: {  	_ = 	snop  }
0x3c: {  	p2 =	seq.s32 s10, $0x1;
	s10 =	sld [smem:$0x3FB9]  }
0x3d: {  	_ =	shalt  }
0x3e: {  	_ =	shalt  }
0x3f: {  	_ =	shalt  }
0x40: {  	_ =	shalt  }
0x41: {  	_ =	shalt  }
0x42: {  	_ =	shalt  }
0x43: {  	_ =	shalt  }
0x44: {  	_ =	shalt  }
0x45: {  	_ =	shalt  }
0x46: {  	_ =	shalt  }
0x47: {  	_ =	shalt  }
0x48: {  	_ =	shalt  }
0x49: {  	_ =	shalt  }
0x4a: {  	_ =	shalt  }
0x4b: {  	_ =	shalt  }
0x4c: {  	_ =	shalt  }
0x4d: {  	_ =	shalt  }
0x4e: {  	_ =	shalt  }
0x4f: {  	_ =	shalt  }
0x50: {  	_ =	shalt  }
0x51: {  	_ =	shalt  }
0x52: {  	_ =	shalt  }
0x53: {  	_ =	shalt  }
0x54: {  	_ =	shalt  }
0x55: {  	_ =	shalt  }
0x56: {  	_ =	shalt  }
0x57: {  	_ =	shalt  }
0x58: {  	_ =	shalt  }
0x59: {  	_ =	shalt  }
0x5a: {  	_ =	shalt  }
0x5b: {  	_ =	shalt  }
0x5c: {  	_ =	shalt  }
0x5d: {  	_ =	shalt  }
0x5e: {  	_ =	shalt  }
0x5f: {  	_ =	shalt  }
0x60: {  	_ =	shalt  }
0x61: {  	_ =	shalt  }
0x62: {  	_ =	shalt  }
0x63: {  	_ =	shalt  }
0x64: {  	_ =	shalt  }
0x65: {  	_ =	shalt  }
0x66: {  	_ =	shalt  }
0x67: {  	_ =	shalt  }
0x68: {  	_ =	shalt  }
0x69: {  	_ =	shalt  }
0x6a: {  	_ =	shalt  }
0x6b: {  	_ =	shalt  }
0x6c: {  	_ =	shalt  }
0x6d: {  	_ =	shalt  }
0x6e: {  	_ =	shalt  }
0x6f: {  	_ =	shalt  }
0x70: {  	_ =	shalt  }
0x71: {  	_ =	shalt  }
0x72: {  	_ =	shalt  }
0x73: {  	_ =	shalt  }
0x74: {  	_ =	shalt  }
0x75: {  	_ =	shalt  }
0x76: {  	_ =	shalt  }
0x77: {  	_ =	shalt  }
0x78: {  	_ =	shalt  }
0x79: {  	_ =	shalt  }
0x7a: {  	_ =	shalt  }
0x7b: {  	_ =	shalt  }
0x7c: {  	_ =	shalt  }
0x7d: {  	_ =	shalt  }
0x7e: {  	_ =	shalt  }
0x7f: {  	_ =	shalt  }
0x80: {  	_ =	shalt  }
0x81: {  	_ =	shalt  }
0x82: {  	_ =	shalt  }
0x83: {  	_ =	shalt  }
0x84: {  	_ =	shalt  }
0x85: {  	_ =	shalt  }
0x86: {  	_ =	shalt  }
0x87: {  	_ =	shalt  }
.Lfunc_end0:
.L_simem_size_0:
called_computation_lowered:
.L_overlay_start_0:
0x88: {  	s2 =	sld [smem:$0x3FD9]  }
0x89: {  	s3 =	sld [smem:$0x3FFE];
	_ =	sdelay $0x1  }
0x8a: {  	s1 =	srdreg.scid  }
0x8b: {  	s0 =	sand.u32 $0x1, s1  }
0x8c: {  	s15 =	sshll.u32 s0, $0xA;
	s2 =	sadd.s32 s3, s2  }
0x8d: {  	s2 =	sadd.s32 s2, s15  }
0x8e: {  	[smem:$0x3FC5] =	sst s2  }
0x8f: {  	_ = 	snop  }
0x90: {  	s2 =	sld [smem:$0x3FD0];
	_ =	sdelay $0x1  }
0x91: {  	s16 =	sld [smem:$0x3FC9]  }
0x92: {  	s5 =	simm.s32 $0xA;
	s6 =	simm.s32 $0x10;
	s4 =	sld [smem:$0x3FC7]  }
0x93: {  	[smem:s6], [sflag:s5] =	dma.local [hbm:s2], $0x1  }
0x94: {  	_ =	swait.eq [sflag:s5], $0x1  }
0x95: {  	[sflag:s5] =	ssyncset.done $0x0  }
0x96: {  	[sflag:s5] =	ssyncadd.s32 $0xFFFFFFFF  }
0x97: {  	s17 =	sld [smem:$0x10];
	(tm) =	ssettm $0x1  }
0x98: {  	s18 =	sld [smem:$0x3FFB];
	_ =	sdelay $0x3  }
0x99: {  	_ =	strace s18  }
0x9a: {  	s5 =	sld [smem:$0x3FFC];
	_ =	sdelay $0x3  }
0x9b: {  	_ =	strace s5  }
0x9c: {  	s5 =	sld [smem:$0x3FFD];
	_ =	sdelay $0x3  }
0x9d: {  	_ =	strace s5  }
0x9e: {  	_ =	strace $0x8FFFFFFF  }
0x9f: {  	s19 =	sld [smem:$0x3FDB];
	_ =	sdelay $0x1  }
0xa0: {  	s20 =	simm.s32 $_scs_section_size  }
0xa1: {  	s7 =	simm.s32 $_size__tile_overlayer_lowered;
	s8 =	simm.s32 $_tile_overlayer_lowered  }
0xa2: {  	s23 =	simm.s32 $0x1BFF;
	s22 =	sshll.u32 s8, $0x1;
	s5 =	sadd.s32 s20, s19  }
0xa3: {  	s9 =	simm.s32 $0x0;
	s21 =	sshll.u32 s7, $0x1;
	s7 =	sadd.s32 s22, s5  }
0xa4: {  	[timem:s9], [sflag:s23] =	dma.local [hbm:s7], s21  }
0xa5: {  	_ =	swait.ge [sflag:s23], s21  }
0xa6: {  	s6 =	ssub.s32 $0x0, s21;
	[sflag:s23] =	ssyncset.done $0x0  }
0xa7: {  	[sflag:s23] =	ssyncadd.s32 s6;
	_ =	sdelay $0x1  }
0xa8: {  	s24 =	simm.s32 $0x1B8B  }
0xa9: {  	_ =	swait.ge [sflag:s24], $0x1  }
0xaa: {  	[sflag:s24] =	ssyncset.done $0x0  }
0xab: {  	s25 =	simm.s32 $0x1B8E;
	[sflag:s24] =	ssyncadd.s32 $0xFFFFFFFF  }
0xac: {  	s26 =	simm.s32 $execute0_lowered;
	[smem:$0x3FD2] =	sst s25  }
0xad: {  	s6 =	sshll.u32 s26, $0x1;
	_ =	strace $0x80000046;
	[dreg:$0x1] =	wrdreg $0xFFFFFFFF  }
0xae: {  	s28 =	simm.s32 $_size_execute0_lowered;
	s5 =	sadd.s32 s5, s6;
	[dreg:$0x0] =	wrdreg $0x0  }
0xaf: {  	s6 =	sshll.u32 s28, $0x1;
	[dreg:$0x2] =	wrdreg s5  }
0xb0: {  	[dreg:$0x3] =	wrdreg s6  }
0xb1: {  	[dreg:$0x4] =	wrdreg $0xC0  }
0xb2: {  	_ =	task [dreg:s9], $0x5FFFF  }
0xb3: {  	[dreg:$0x1] =	wrdreg $0xFFFFFFFF  }
0xb4: {  	[dreg:$0x0] =	wrdreg $0x60  }
0xb5: {  	[dreg:$0x2] =	wrdreg s16  }
0xb6: {  	[dreg:$0x3] =	wrdreg s4  }
0xb7: {  	[dreg:$0x4] =	wrdreg s17  }
0xb8: {  	[dreg:$0x5] =	wrdreg $0x9  }
0xb9: {  	_ =	task.clear_ibuf [dreg:s9], $0x6FFFF;
	_ =	strace $0x90000046  }
0xba: {  	s29 =	simm.s32 $0x9;
	_ =	strace $0x80000048  }
0xbb: {  	_ =	swait.ge [sflag:s29], $0x1  }
0xbc: {  	[sflag:s29] =	ssyncadd.s32 $0xFFFFFFFF  }
0xbd: {  	_ =	strace $0x90000048  }
0xbe: {  	_ =	sfence  }
0xbf: {  	s30 =	sld [smem:$0x0];
	_ =	sdelay $0x2  }
0xc0: {  	s31 =	sshll.u32 s1, $0xD;
	s1 =	sshrl.u32 s1, $0x2  }
0xc1: {  	s3 =	sand.u32 $0x4000, s31;
	s1 =	sadd.s32 s1, s30  }
0xc2: {  	s0 =	sor.u32 s3, s0;
	s1 =	sshll.u32 s1, $0x11  }
0xc3: {  	s0 =	sor.u32 s1, s0  }
0xc4: {  	s0 =	sadd.s32 $0x8F2B, s0  }
0xc5: {  	[sflag:s0] =	ssyncadd.remote.s32 $0x1  }
0xc6: {  	_ =	sfence.sel $0xFFFF  }
0xc7: {  	[dreg:$0x0] =	wrdreg $0xFFFFFFFF;
	(pc) =	sbr.abs _section_cstart, $3  }
0xc8: {  	[dreg:$0x1] =	wrdreg $0xFFFFFFFF  }
0xc9: {  	_ =	task.clear_ibuf [dreg:s9], $0x2FFFF;
	_ =	strace $0x9FFFFFFF  }
0xca: {  	(tm) =	ssettm $0x7FFFFFFF  }
0xcb: {  	_ =	shalt  }
tec
execute0_lowered:
.L_overlay_start_1:
0x0: {  	(tag) =	ssettag $0x1  }
0x1: {  	s1 =	rddreg [dreg:$0x0]  }
0x2: {  	s2 =	rddreg [dreg:$0x1]  }
0x3: {  	s0 =	rddreg [dreg:$0x2];
	s3 =	simm.s32 $0x0  }
0x4: {  	s13 =	stileid.u32;
	s4 =	srdreg.scid;
	s30 =	simm.s32 $0x2  }
0x5: {  	s31 =	simm.s32 $0x12A00;
	s29 =	simm.s32 $0x14200;
	[smem:$0x7FF] =	sst s3  }
0x6: {  	s5 =	sshll.u32 s13, $0x1;
	s4 =	sand.u32 $0x1, s4;
	s6 =	sshrl.u32 s13, $0x2  }
0x7: {  	s13 =	sand.u32 $0x3, s13;
	s5 =	sand.u32 $0x6, s5;
	s7 =	ssub.s32 $0x2, s4  }
0x8: {  	s19 =	sshll.u32 s6, $0x4;
	_ =	strace $0x80000047;
	s20 =	sshll.u32 s6, $0x17  }
0x9: {  	s6 =	sadd.s32 $0x200, s2;
	s13 =	sshll.u32 s13, $0x15;
	s8 =	sor.u32 s4, s5  }
0xa: {  	s9 =	sshrl.u32 s7, $0x1;
	s1 =	sadd.s32 s1, s19;
	s5 =	sadd.s32 $0x100, s2  }
0xb: {  	s4 =	sshll.u32 s4, $0x14;
	s10 =	sshll.u32 s8, $0x8;
	s8 =	sshll.u32 s8, $0x14  }
0xc: {  	s11 =	ssub.s32 s7, s9;
	s7 =	sadd.s32 $0x300, s2;
	s21 =	sor.u32 s20, s8  }
0xd: {  	s9 =	sadd.s32 $0x500, s2;
	s1 =	sadd.s32 s10, s1;
	s12 =	sshrl.u32 s21, $0x3  }
0xe: {  	s8 =	sadd.s32 $0x400, s2;
	[dreg:$0xa] =	wrdreg s1;
	s15 =	sadd.s32 s0, s12  }
0xf: {  	s10 =	sadd.s32 $0x600, s2;
	s14 =	sadd.s32 $0x800, s15;
	[dreg:$0xb] =	wrdreg s15  }
0x10: {  	s1 =	sor.u32 s13, s20;
	s22 =	sadd.s32 $0x1000, s15;
	[dreg:$0xc] =	wrdreg s14  }
0x11: {  	s12 =	sadd.s32 $0x700, s2;
	s23 =	sadd.s32 $0x1800, s15;
	[dreg:$0xd] =	wrdreg s22  }
0x12: {  	s1 =	sor.u32 s4, s1;
	s24 =	sadd.s32 $0x1D000, s15;
	[dreg:$0xe] =	wrdreg s23  }
0x13: {  	s25 =	sadd.s32 $0x1D800, s15;
	s26 =	sadd.s32 $0x1E000, s15;
	[dreg:$0xf] =	wrdreg s24  }
0x14: {  	s28 =	sor.u32 $0x18000, s1;
	s16 =	sor.u32 $0x14000, s1;
	[dreg:$0x10] =	wrdreg s25  }
0x15: {  	s17 =	sor.u32 $0x10000, s1;
	s21 =	sor.u32 $0x1C000, s1;
	[dreg:$0x11] =	wrdreg s26  }
0x16: {  	s14 =	sadd.s32 $0x1E800, s15;
	s4 =	sshrl.u32 s28, $0x3;
	s13 =	sshrl.u32 s16, $0x3  }
0x17: {  	s19 =	sshrl.u32 s17, $0x3;
	s22 =	sshrl.u32 s21, $0x3;
	s23 =	sor.u32 $0x24000, s1  }
0x18: {  	s1 =	sor.u32 $0x20000, s1;
	s25 =	sadd.s32 $0x1F000, s15;
	s26 =	sadd.s32 $0x1F800, s15  }
0x19: {  	s28 =	smax.u32 s11, $0x1;
	s17 =	simm.s32 $0x3;
	s21 =	simm.s32 $0x10A00  }
0x1a: {  	s15 =	simm.s32 $0x8;
	s11 =	simm.s32 $0x9;
	[dreg:$0x12] =	wrdreg s14  }
0x1b: {  	s16 =	simm.s32 $0xA;
	s4 =	sadd.s32 s4, s0;
	[dreg:$0x13] =	wrdreg s25  }
0x1c: {  	s18 =	sadd.s32 s13, s0;
	s20 =	sadd.s32 s19, s0;
	[dreg:$0x14] =	wrdreg s26  }
0x1d: {  	s13 =	sshrl.u32 s23, $0x3;
	s1 =	sshrl.u32 s1, $0x3;
	[dreg:$0x15] =	wrdreg s28  }
0x1e: {  	s19 =	simm.s32 $0x1;
	s23 =	simm.s32 $0x11A00;
	[dreg:$0x4] =	wrdreg s4  }
0x1f: {  	s14 =	simm.s32 $0x6;
	s25 =	simm.s32 $0xB;
	[dreg:$0x5] =	wrdreg s18  }
0x20: {  	s26 =	simm.s32 $0xC;
	[dreg:$0x6] =	wrdreg s20;
	s4 =	sadd.s32 s22, s0  }
0x21: {  	s24 =	sadd.s32 s13, s0;
	s0 =	sadd.s32 s1, s0;
	s20 =	simm.s32 $0x10200  }
0x22: {  	v0 =	vlaneseq.u32;
	s18 =	simm.s32 $0x13200;
	s22 =	simm.s32 $0x4;
	[dreg:$0x7] =	wrdreg s4  }
0x23: {  	v1 =	vshrl.u32 v0, $0x3;
	s13 =	simm.s32 $0x7;
	s1 =	simm.s32 $0x0;
	[dreg:$0x8] =	wrdreg s24  }
0x24: {  	vm0 =	vmmov $0xffff;
	v0 =	vand.u32 $0x7, v0;
	v1 =	vmul.u32 $0x8, v1;
	[dreg:$0x9] =	wrdreg s0;
	s24 =	simm.s32 $0x11200;
	s4 =	simm.s32 $0x5  }
.LBB2_1:
0x25: {  	[dreg:$0x16] =	wrdreg s1  }
0x26: {  	s0 =	rddreg [dreg:$0xa];
	s1 =	simm.s32 $0x80;
	s28 =	simm.s32 $0x200  }
0x27: {  	[tilespmem:s3], [sflag:$0xD] =	stream.strided.gather [hbm4b:s0+s1], $0x200, s28, s1, $0x38;
	[tilespmem:$0x18200] =	vst v63  }
0x28: {  	s1 =	simm.s32 $0xD  }
0x29: {  	_ =	swait.ge [sflag:s1], $0x200  }
0x2a: {  	[sflag:s1] =	ssyncset.done $0x0  }
0x2b: {  	[sflag:s1] =	ssyncadd.s32 $0xFFFFFE00  }
0x2c: {  	v2 =	vld.msk [tilespmem:$0x0], $0xff;
	_ =	sdelay $0x4  }
0x2d: {  	v3 =	vshll.u32 v2, $0x4  }
0x2e: {  	v2 =	vand.u32 $0x7, v2;
	v3 =	vand.u32 $0xFFFFFF80, v3  }
0x2f: {  	v2 =	vor.u32 v2, v3  }
0x30: {  	v2 =	vperm.xlane v2, v0;
	_ =	sdelay $0x1  }
0x31: {  	v2 =	vadd.s32 v1, v2;
	_ =	sdelay $0x4  }
0x32: {  	[tilespmem:s28], [sflag:$0x1] =	stream.indirect_vreg.gather [hbm4b:s2+s3], $0x80, v2, vm0, $0xb8;
	[tilespmem:$0x18200] =	vst v63  }
0x33: {  	s1 =	simm.s32 $0xA00  }
0x34: {  	[tilespmem:s1], [sflag:$0x1] =	stream.indirect_vreg.gather [hbm4b:s5+s3], $0x80, v2, vm0, $0xb8;
	[tilespmem:$0x18200] =	vst v63  }
0x35: {  	s1 =	simm.s32 $0x1200  }
0x36: {  	[tilespmem:s1], [sflag:$0x1] =	stream.indirect_vreg.gather [hbm4b:s6+s3], $0x80, v2, vm0, $0xb8;
	[tilespmem:$0x18200] =	vst v63  }
0x37: {  	s1 =	simm.s32 $0x1A00  }
0x38: {  	[tilespmem:s1], [sflag:$0x1] =	stream.indirect_vreg.gather [hbm4b:s7+s3], $0x80, v2, vm0, $0xb8;
	[tilespmem:$0x18200] =	vst v63  }
0x39: {  	s1 =	simm.s32 $0x2200  }
0x3a: {  	[tilespmem:s1], [sflag:$0x1] =	stream.indirect_vreg.gather [hbm4b:s8+s3], $0x80, v2, vm0, $0xb8;
	[tilespmem:$0x18200] =	vst v63  }
0x3b: {  	s1 =	simm.s32 $0x2A00  }
0x3c: {  	[tilespmem:s1], [sflag:$0x1] =	stream.indirect_vreg.gather [hbm4b:s9+s3], $0x80, v2, vm0, $0xb8;
	[tilespmem:$0x18200] =	vst v63  }
0x3d: {  	s1 =	simm.s32 $0x3200  }
0x3e: {  	[tilespmem:s1], [sflag:$0x1] =	stream.indirect_vreg.gather [hbm4b:s10+s3], $0x80, v2, vm0, $0xb8;
	[tilespmem:$0x18200] =	vst v63  }
0x3f: {  	s1 =	simm.s32 $0x3A00  }
0x40: {  	[tilespmem:s1], [sflag:$0x1] =	stream.indirect_vreg.gather [hbm4b:s12+s3], $0x80, v2, vm0, $0xb8;
	[tilespmem:$0x18200] =	vst v63  }
0x41: {  	v2 =	vld.msk [tilespmem:$0x8], $0xff;
	_ =	sdelay $0x4  }
0x42: {  	v3 =	vshll.u32 v2, $0x4  }
0x43: {  	v2 =	vand.u32 $0x7, v2;
	v3 =	vand.u32 $0xFFFFFF80, v3  }
0x44: {  	v2 =	vor.u32 v2, v3  }
0x45: {  	v2 =	vperm.xlane v2, v0;
	_ =	sdelay $0x1  }
0x46: {  	v2 =	vadd.s32 v1, v2;
	_ =	sdelay $0x3  }
0x47: {  	s1 =	simm.s32 $0x4200  }
0x48: {  	[tilespmem:s1], [sflag:$0x2] =	stream.indirect_vreg.gather [hbm4b:s2+s3], $0x80, v2, vm0, $0xb8;
	[tilespmem:$0x18200] =	vst v63  }
0x49: {  	s0 =	simm.s32 $0x4A00  }
0x4a: {  	[tilespmem:s0], [sflag:$0x2] =	stream.indirect_vreg.gather [hbm4b:s5+s3], $0x80, v2, vm0, $0xb8;
	[tilespmem:$0x18200] =	vst v63  }
0x4b: {  	s0 =	simm.s32 $0x5200  }
0x4c: {  	[tilespmem:s0], [sflag:$0x2] =	stream.indirect_vreg.gather [hbm4b:s6+s3], $0x80, v2, vm0, $0xb8;
	[tilespmem:$0x18200] =	vst v63  }
0x4d: {  	s0 =	simm.s32 $0x5A00  }
0x4e: {  	[tilespmem:s0], [sflag:$0x2] =	stream.indirect_vreg.gather [hbm4b:s7+s3], $0x80, v2, vm0, $0xb8;
	[tilespmem:$0x18200] =	vst v63  }
0x4f: {  	s0 =	simm.s32 $0x6200  }
0x50: {  	[tilespmem:s0], [sflag:$0x2] =	stream.indirect_vreg.gather [hbm4b:s8+s3], $0x80, v2, vm0, $0xb8;
	[tilespmem:$0x18200] =	vst v63  }
0x51: {  	s0 =	simm.s32 $0x6A00  }
0x52: {  	[tilespmem:s0], [sflag:$0x2] =	stream.indirect_vreg.gather [hbm4b:s9+s3], $0x80, v2, vm0, $0xb8;
	[tilespmem:$0x18200] =	vst v63  }
0x53: {  	s0 =	simm.s32 $0x7200  }
0x54: {  	[tilespmem:s0], [sflag:$0x2] =	stream.indirect_vreg.gather [hbm4b:s10+s3], $0x80, v2, vm0, $0xb8;
	[tilespmem:$0x18200] =	vst v63  }
0x55: {  	s0 =	simm.s32 $0x7A00  }
0x56: {  	[tilespmem:s0], [sflag:$0x2] =	stream.indirect_vreg.gather [hbm4b:s12+s3], $0x80, v2, vm0, $0xb8;
	[tilespmem:$0x18200] =	vst v63  }
0x57: {  	_ =	swait.ge [sflag:s19], $0x4000  }
0x58: {  	[sflag:s19] =	ssyncset.done $0x0  }
0x59: {  	s0 =	rddreg [dreg:$0xb];
	[sflag:s19] =	ssyncadd.s32 $0xFFFFC000  }
0x5a: {  	[hbm4b:s0+s3] =	stream.linear.scatter [tilespmem:s28], [sflag:$0x7], $0x4000, $0x38;
	[tilespmem:$0x18200] =	vst v63  }
0x5b: {  	v2 =	vld.msk [tilespmem:$0x10], $0xff;
	_ =	sdelay $0x4  }
0x5c: {  	v3 =	vshll.u32 v2, $0x4  }
0x5d: {  	v2 =	vand.u32 $0x7, v2;
	v3 =	vand.u32 $0xFFFFFF80, v3  }
0x5e: {  	v2 =	vor.u32 v2, v3  }
0x5f: {  	v2 =	vperm.xlane v2, v0;
	_ =	sdelay $0x1  }
0x60: {  	v2 =	vadd.s32 v1, v2;
	_ =	sdelay $0x3  }
0x61: {  	s28 =	simm.s32 $0x8200  }
0x62: {  	[tilespmem:s28], [sflag:$0x3] =	stream.indirect_vreg.gather [hbm4b:s2+s3], $0x80, v2, vm0, $0xb8;
	[tilespmem:$0x18200] =	vst v63  }
0x63: {  	s0 =	simm.s32 $0x8A00  }
0x64: {  	[tilespmem:s0], [sflag:$0x3] =	stream.indirect_vreg.gather [hbm4b:s5+s3], $0x80, v2, vm0, $0xb8;
	[tilespmem:$0x18200] =	vst v63  }
0x65: {  	s0 =	simm.s32 $0x9200  }
0x66: {  	[tilespmem:s0], [sflag:$0x3] =	stream.indirect_vreg.gather [hbm4b:s6+s3], $0x80, v2, vm0, $0xb8;
	[tilespmem:$0x18200] =	vst v63  }
0x67: {  	s0 =	simm.s32 $0x9A00  }
0x68: {  	[tilespmem:s0], [sflag:$0x3] =	stream.indirect_vreg.gather [hbm4b:s7+s3], $0x80, v2, vm0, $0xb8;
	[tilespmem:$0x18200] =	vst v63  }
0x69: {  	s0 =	simm.s32 $0xA200  }
0x6a: {  	[tilespmem:s0], [sflag:$0x3] =	stream.indirect_vreg.gather [hbm4b:s8+s3], $0x80, v2, vm0, $0xb8;
	[tilespmem:$0x18200] =	vst v63  }
0x6b: {  	s0 =	simm.s32 $0xAA00  }
0x6c: {  	[tilespmem:s0], [sflag:$0x3] =	stream.indirect_vreg.gather [hbm4b:s9+s3], $0x80, v2, vm0, $0xb8;
	[tilespmem:$0x18200] =	vst v63  }
0x6d: {  	s0 =	simm.s32 $0xB200  }
0x6e: {  	[tilespmem:s0], [sflag:$0x3] =	stream.indirect_vreg.gather [hbm4b:s10+s3], $0x80, v2, vm0, $0xb8;
	[tilespmem:$0x18200] =	vst v63  }
0x6f: {  	s0 =	simm.s32 $0xBA00  }
0x70: {  	[tilespmem:s0], [sflag:$0x3] =	stream.indirect_vreg.gather [hbm4b:s12+s3], $0x80, v2, vm0, $0xb8;
	[tilespmem:$0x18200] =	vst v63  }
0x71: {  	_ =	swait.ge [sflag:s30], $0x4000  }
0x72: {  	[sflag:s30] =	ssyncset.done $0x0  }
0x73: {  	s0 =	rddreg [dreg:$0xc];
	[sflag:s30] =	ssyncadd.s32 $0xFFFFC000  }
0x74: {  	[hbm4b:s0+s3] =	stream.linear.scatter [tilespmem:s1], [sflag:$0x8], $0x4000, $0x38;
	[tilespmem:$0x18200] =	vst v63  }
0x75: {  	v2 =	vld.msk [tilespmem:$0x18], $0xff;
	_ =	sdelay $0x4  }
0x76: {  	v3 =	vshll.u32 v2, $0x4  }
0x77: {  	v2 =	vand.u32 $0x7, v2;
	v3 =	vand.u32 $0xFFFFFF80, v3  }
0x78: {  	v2 =	vor.u32 v2, v3  }
0x79: {  	v2 =	vperm.xlane v2, v0;
	_ =	sdelay $0x1  }
0x7a: {  	v2 =	vadd.s32 v1, v2;
	_ =	sdelay $0x3  }
0x7b: {  	s1 =	simm.s32 $0xC200  }
0x7c: {  	[tilespmem:s1], [sflag:$0x4] =	stream.indirect_vreg.gather [hbm4b:s2+s3], $0x80, v2, vm0, $0xb8;
	[tilespmem:$0x18200] =	vst v63  }
0x7d: {  	s0 =	simm.s32 $0xCA00  }
0x7e: {  	[tilespmem:s0], [sflag:$0x4] =	stream.indirect_vreg.gather [hbm4b:s5+s3], $0x80, v2, vm0, $0xb8;
	[tilespmem:$0x18200] =	vst v63  }
0x7f: {  	s0 =	simm.s32 $0xD200  }
0x80: {  	[tilespmem:s0], [sflag:$0x4] =	stream.indirect_vreg.gather [hbm4b:s6+s3], $0x80, v2, vm0, $0xb8;
	[tilespmem:$0x18200] =	vst v63  }
0x81: {  	s0 =	simm.s32 $0xDA00  }
0x82: {  	[tilespmem:s0], [sflag:$0x4] =	stream.indirect_vreg.gather [hbm4b:s7+s3], $0x80, v2, vm0, $0xb8;
	[tilespmem:$0x18200] =	vst v63  }
0x83: {  	s0 =	simm.s32 $0xE200  }
0x84: {  	[tilespmem:s0], [sflag:$0x4] =	stream.indirect_vreg.gather [hbm4b:s8+s3], $0x80, v2, vm0, $0xb8;
	[tilespmem:$0x18200] =	vst v63  }
0x85: {  	s0 =	simm.s32 $0xEA00  }
0x86: {  	[tilespmem:s0], [sflag:$0x4] =	stream.indirect_vreg.gather [hbm4b:s9+s3], $0x80, v2, vm0, $0xb8;
	[tilespmem:$0x18200] =	vst v63  }
0x87: {  	s0 =	simm.s32 $0xF200  }
0x88: {  	[tilespmem:s0], [sflag:$0x4] =	stream.indirect_vreg.gather [hbm4b:s10+s3], $0x80, v2, vm0, $0xb8;
	[tilespmem:$0x18200] =	vst v63  }
0x89: {  	s0 =	simm.s32 $0xFA00  }
0x8a: {  	[tilespmem:s0], [sflag:$0x4] =	stream.indirect_vreg.gather [hbm4b:s12+s3], $0x80, v2, vm0, $0xb8;
	[tilespmem:$0x18200] =	vst v63  }
0x8b: {  	_ =	swait.ge [sflag:s17], $0x4000  }
0x8c: {  	[sflag:s17] =	ssyncset.done $0x0  }
0x8d: {  	s0 =	rddreg [dreg:$0xd];
	[sflag:s17] =	ssyncadd.s32 $0xFFFFC000  }
0x8e: {  	[hbm4b:s0+s3] =	stream.linear.scatter [tilespmem:s28], [sflag:$0x9], $0x4000, $0x38;
	[tilespmem:$0x18200] =	vst v63  }
0x8f: {  	v2 =	vld.msk [tilespmem:$0x20], $0xff;
	_ =	sdelay $0x4  }
0x90: {  	v3 =	vshll.u32 v2, $0x4  }
0x91: {  	v2 =	vand.u32 $0x7, v2;
	v3 =	vand.u32 $0xFFFFFF80, v3  }
0x92: {  	v2 =	vor.u32 v2, v3  }
0x93: {  	v2 =	vperm.xlane v2, v0;
	_ =	sdelay $0x1  }
0x94: {  	v2 =	vadd.s32 v1, v2;
	_ =	sdelay $0x4  }
0x95: {  	[tilespmem:s20], [sflag:$0x5] =	stream.indirect_vreg.gather [hbm4b:s2+s3], $0x80, v2, vm0, $0xb8;
	[tilespmem:$0x18200] =	vst v63  }
0x96: {  	_ = 	snop  }
0x97: {  	[tilespmem:s21], [sflag:$0x5] =	stream.indirect_vreg.gather [hbm4b:s5+s3], $0x80, v2, vm0, $0xb8;
	[tilespmem:$0x18200] =	vst v63  }
0x98: {  	_ = 	snop  }
0x99: {  	[tilespmem:s24], [sflag:$0x5] =	stream.indirect_vreg.gather [hbm4b:s6+s3], $0x80, v2, vm0, $0xb8;
	[tilespmem:$0x18200] =	vst v63  }
0x9a: {  	_ = 	snop  }
0x9b: {  	[tilespmem:s23], [sflag:$0x5] =	stream.indirect_vreg.gather [hbm4b:s7+s3], $0x80, v2, vm0, $0xb8;
	[tilespmem:$0x18200] =	vst v63  }
0x9c: {  	s24 =	simm.s32 $0x12200  }
0x9d: {  	[tilespmem:s24], [sflag:$0x5] =	stream.indirect_vreg.gather [hbm4b:s8+s3], $0x80, v2, vm0, $0xb8;
	[tilespmem:$0x18200] =	vst v63  }
0x9e: {  	_ = 	snop  }
0x9f: {  	[tilespmem:s31], [sflag:$0x5] =	stream.indirect_vreg.gather [hbm4b:s9+s3], $0x80, v2, vm0, $0xb8;
	[tilespmem:$0x18200] =	vst v63  }
0xa0: {  	_ = 	snop  }
0xa1: {  	[tilespmem:s18], [sflag:$0x5] =	stream.indirect_vreg.gather [hbm4b:s10+s3], $0x80, v2, vm0, $0xb8;
	[tilespmem:$0x18200] =	vst v63  }
0xa2: {  	s18 =	simm.s32 $0x13A00  }
0xa3: {  	[tilespmem:s18], [sflag:$0x5] =	stream.indirect_vreg.gather [hbm4b:s12+s3], $0x80, v2, vm0, $0xb8;
	[tilespmem:$0x18200] =	vst v63  }
0xa4: {  	_ =	swait.ge [sflag:s22], $0x4000  }
0xa5: {  	[sflag:s22] =	ssyncset.done $0x0  }
0xa6: {  	s20 =	rddreg [dreg:$0xe];
	[sflag:s22] =	ssyncadd.s32 $0xFFFFC000  }
0xa7: {  	[hbm4b:s20+s3] =	stream.linear.scatter [tilespmem:s1], [sflag:$0xA], $0x4000, $0x38;
	[tilespmem:$0x18200] =	vst v63  }
0xa8: {  	v2 =	vld.msk [tilespmem:$0x28], $0xff;
	_ =	sdelay $0x4  }
0xa9: {  	v3 =	vshll.u32 v2, $0x4  }
0xaa: {  	v2 =	vand.u32 $0x7, v2;
	v3 =	vand.u32 $0xFFFFFF80, v3  }
0xab: {  	v2 =	vor.u32 v2, v3  }
0xac: {  	v2 =	vperm.xlane v2, v0;
	_ =	sdelay $0x1  }
0xad: {  	v2 =	vadd.s32 v1, v2;
	_ =	sdelay $0x4  }
0xae: {  	[tilespmem:s29], [sflag:$0x6] =	stream.indirect_vreg.gather [hbm4b:s2+s3], $0x80, v2, vm0, $0xb8;
	[tilespmem:$0x18200] =	vst v63  }
0xaf: {  	s21 =	simm.s32 $0x14A00  }
0xb0: {  	[tilespmem:s21], [sflag:$0x6] =	stream.indirect_vreg.gather [hbm4b:s5+s3], $0x80, v2, vm0, $0xb8;
	[tilespmem:$0x18200] =	vst v63  }
0xb1: {  	s23 =	simm.s32 $0x15200  }
0xb2: {  	[tilespmem:s23], [sflag:$0x6] =	stream.indirect_vreg.gather [hbm4b:s6+s3], $0x80, v2, vm0, $0xb8;
	[tilespmem:$0x18200] =	vst v63  }
0xb3: {  	s24 =	simm.s32 $0x15A00  }
0xb4: {  	[tilespmem:s24], [sflag:$0x6] =	stream.indirect_vreg.gather [hbm4b:s7+s3], $0x80, v2, vm0, $0xb8;
	[tilespmem:$0x18200] =	vst v63  }
0xb5: {  	s29 =	simm.s32 $0x16200  }
0xb6: {  	[tilespmem:s29], [sflag:$0x6] =	stream.indirect_vreg.gather [hbm4b:s8+s3], $0x80, v2, vm0, $0xb8;
	[tilespmem:$0x18200] =	vst v63  }
0xb7: {  	s31 =	simm.s32 $0x16A00  }
0xb8: {  	[tilespmem:s31], [sflag:$0x6] =	stream.indirect_vreg.gather [hbm4b:s9+s3], $0x80, v2, vm0, $0xb8;
	[tilespmem:$0x18200] =	vst v63  }
0xb9: {  	s18 =	simm.s32 $0x17200  }
0xba: {  	[tilespmem:s18], [sflag:$0x6] =	stream.indirect_vreg.gather [hbm4b:s10+s3], $0x80, v2, vm0, $0xb8;
	[tilespmem:$0x18200] =	vst v63  }
0xbb: {  	s28 =	simm.s32 $0x17A00;
	s0 =	simm.s32 $0x58;
	s21 =	simm.s32 $0x0  }
0xbc: {  	[tilespmem:s28], [sflag:$0x6] =	stream.indirect_vreg.gather [hbm4b:s12+s3], $0x80, v2, vm0, $0xb8;
	[tilespmem:$0x18200] =	vst v63  }
.LBB2_2:
0xbd: {  	_ =	swait.ge [sflag:s4], $0x4000  }
0xbe: {  	s1 =	rddreg [dreg:$0x6];
	[sflag:s4] =	ssyncset.done $0x0  }
0xbf: {  	s31 =	simm.s32 $0x10200;
	[sflag:s4] =	ssyncadd.s32 $0xFFFFC000;
	s1 =	sadd.s32 s21, s1  }
0xc0: {  	[hbm4b:s1+s3] =	stream.linear.scatter [tilespmem:s31], [sflag:$0xB], $0x4000, $0x38;
	[tilespmem:$0x18200] =	vst v63  }
0xc1: {  	_ =	swait.ge [sflag:s13], $0x4000  }
0xc2: {  	[sflag:s13] =	ssyncset.done $0x0  }
0xc3: {  	[sflag:s13] =	ssyncadd.s32 $0xFFFFC000  }
0xc4: {  	v2 =	vld.msk [tilespmem:s0+$0xFFFFFFD8], $0xff;
	_ =	sdelay $0x4  }
0xc5: {  	v3 =	vshll.u32 v2, $0x4  }
0xc6: {  	v2 =	vand.u32 $0x7, v2;
	v3 =	vand.u32 $0xFFFFFF80, v3  }
0xc7: {  	v2 =	vor.u32 v2, v3  }
0xc8: {  	v2 =	vperm.xlane v2, v0;
	_ =	sdelay $0x1  }
0xc9: {  	v2 =	vadd.s32 v1, v2;
	_ =	sdelay $0x3  }
0xca: {  	s23 =	simm.s32 $0x200  }
0xcb: {  	[tilespmem:s23], [sflag:$0x1] =	stream.indirect_vreg.gather [hbm4b:s2+s3], $0x80, v2, vm0, $0xb8;
	[tilespmem:$0x18200] =	vst v63  }
0xcc: {  	s20 =	simm.s32 $0xA00  }
0xcd: {  	[tilespmem:s20], [sflag:$0x1] =	stream.indirect_vreg.gather [hbm4b:s5+s3], $0x80, v2, vm0, $0xb8;
	[tilespmem:$0x18200] =	vst v63  }
0xce: {  	s24 =	simm.s32 $0x1200  }
0xcf: {  	[tilespmem:s24], [sflag:$0x1] =	stream.indirect_vreg.gather [hbm4b:s6+s3], $0x80, v2, vm0, $0xb8;
	[tilespmem:$0x18200] =	vst v63  }
0xd0: {  	s20 =	simm.s32 $0x1A00  }
0xd1: {  	[tilespmem:s20], [sflag:$0x1] =	stream.indirect_vreg.gather [hbm4b:s7+s3], $0x80, v2, vm0, $0xb8;
	[tilespmem:$0x18200] =	vst v63  }
0xd2: {  	s24 =	simm.s32 $0x2200  }
0xd3: {  	[tilespmem:s24], [sflag:$0x1] =	stream.indirect_vreg.gather [hbm4b:s8+s3], $0x80, v2, vm0, $0xb8;
	[tilespmem:$0x18200] =	vst v63  }
0xd4: {  	s20 =	simm.s32 $0x2A00  }
0xd5: {  	[tilespmem:s20], [sflag:$0x1] =	stream.indirect_vreg.gather [hbm4b:s9+s3], $0x80, v2, vm0, $0xb8;
	[tilespmem:$0x18200] =	vst v63  }
0xd6: {  	s24 =	simm.s32 $0x3200  }
0xd7: {  	[tilespmem:s24], [sflag:$0x1] =	stream.indirect_vreg.gather [hbm4b:s10+s3], $0x80, v2, vm0, $0xb8;
	[tilespmem:$0x18200] =	vst v63  }
0xd8: {  	s20 =	simm.s32 $0x3A00  }
0xd9: {  	[tilespmem:s20], [sflag:$0x1] =	stream.indirect_vreg.gather [hbm4b:s12+s3], $0x80, v2, vm0, $0xb8;
	[tilespmem:$0x18200] =	vst v63  }
0xda: {  	_ =	swait.ge [sflag:s14], $0x4000  }
0xdb: {  	s24 =	rddreg [dreg:$0x5];
	[sflag:s14] =	ssyncset.done $0x0  }
0xdc: {  	[sflag:s14] =	ssyncadd.s32 $0xFFFFC000;
	s1 =	sadd.s32 s21, s24;
	s24 =	simm.s32 $0x14200  }
0xdd: {  	[hbm4b:s1+s3] =	stream.linear.scatter [tilespmem:s24], [sflag:$0xC], $0x4000, $0x38;
	[tilespmem:$0x18200] =	vst v63  }
0xde: {  	_ =	swait.ge [sflag:s15], $0x4000  }
0xdf: {  	[sflag:s15] =	ssyncset.done $0x0  }
0xe0: {  	[sflag:s15] =	ssyncadd.s32 $0xFFFFC000  }
0xe1: {  	v2 =	vld.msk [tilespmem:s0+$0xFFFFFFE0], $0xff;
	_ =	sdelay $0x4  }
0xe2: {  	v3 =	vshll.u32 v2, $0x4  }
0xe3: {  	v2 =	vand.u32 $0x7, v2;
	v3 =	vand.u32 $0xFFFFFF80, v3  }
0xe4: {  	v2 =	vor.u32 v2, v3  }
0xe5: {  	v2 =	vperm.xlane v2, v0;
	_ =	sdelay $0x1  }
0xe6: {  	v2 =	vadd.s32 v1, v2;
	_ =	sdelay $0x3  }
0xe7: {  	s20 =	simm.s32 $0x4200  }
0xe8: {  	[tilespmem:s20], [sflag:$0x2] =	stream.indirect_vreg.gather [hbm4b:s2+s3], $0x80, v2, vm0, $0xb8;
	[tilespmem:$0x18200] =	vst v63  }
0xe9: {  	s1 =	simm.s32 $0x4A00  }
0xea: {  	[tilespmem:s1], [sflag:$0x2] =	stream.indirect_vreg.gather [hbm4b:s5+s3], $0x80, v2, vm0, $0xb8;
	[tilespmem:$0x18200] =	vst v63  }
0xeb: {  	s1 =	simm.s32 $0x5200  }
0xec: {  	[tilespmem:s1], [sflag:$0x2] =	stream.indirect_vreg.gather [hbm4b:s6+s3], $0x80, v2, vm0, $0xb8;
	[tilespmem:$0x18200] =	vst v63  }
0xed: {  	s1 =	simm.s32 $0x5A00  }
0xee: {  	[tilespmem:s1], [sflag:$0x2] =	stream.indirect_vreg.gather [hbm4b:s7+s3], $0x80, v2, vm0, $0xb8;
	[tilespmem:$0x18200] =	vst v63  }
0xef: {  	s1 =	simm.s32 $0x6200  }
0xf0: {  	[tilespmem:s1], [sflag:$0x2] =	stream.indirect_vreg.gather [hbm4b:s8+s3], $0x80, v2, vm0, $0xb8;
	[tilespmem:$0x18200] =	vst v63  }
0xf1: {  	s1 =	simm.s32 $0x6A00  }
0xf2: {  	[tilespmem:s1], [sflag:$0x2] =	stream.indirect_vreg.gather [hbm4b:s9+s3], $0x80, v2, vm0, $0xb8;
	[tilespmem:$0x18200] =	vst v63  }
0xf3: {  	s1 =	simm.s32 $0x7200  }
0xf4: {  	[tilespmem:s1], [sflag:$0x2] =	stream.indirect_vreg.gather [hbm4b:s10+s3], $0x80, v2, vm0, $0xb8;
	[tilespmem:$0x18200] =	vst v63  }
0xf5: {  	s1 =	simm.s32 $0x7A00  }
0xf6: {  	[tilespmem:s1], [sflag:$0x2] =	stream.indirect_vreg.gather [hbm4b:s12+s3], $0x80, v2, vm0, $0xb8;
	[tilespmem:$0x18200] =	vst v63  }
0xf7: {  	_ =	swait.ge [sflag:s19], $0x4000  }
0xf8: {  	s1 =	rddreg [dreg:$0x4];
	[sflag:s19] =	ssyncset.done $0x0  }
0xf9: {  	[sflag:s19] =	ssyncadd.s32 $0xFFFFC000;
	s1 =	sadd.s32 s21, s1  }
0xfa: {  	[hbm4b:s1+s3] =	stream.linear.scatter [tilespmem:s23], [sflag:$0x7], $0x4000, $0x38;
	[tilespmem:$0x18200] =	vst v63  }
0xfb: {  	_ =	swait.ge [sflag:s11], $0x4000  }
0xfc: {  	[sflag:s11] =	ssyncset.done $0x0  }
0xfd: {  	[sflag:s11] =	ssyncadd.s32 $0xFFFFC000  }
0xfe: {  	v2 =	vld.msk [tilespmem:s0+$0xFFFFFFE8], $0xff;
	_ =	sdelay $0x4  }
0xff: {  	v3 =	vshll.u32 v2, $0x4  }
0x100: {  	v2 =	vand.u32 $0x7, v2;
	v3 =	vand.u32 $0xFFFFFF80, v3  }
0x101: {  	v2 =	vor.u32 v2, v3  }
0x102: {  	v2 =	vperm.xlane v2, v0;
	_ =	sdelay $0x1  }
0x103: {  	v2 =	vadd.s32 v1, v2;
	_ =	sdelay $0x3  }
0x104: {  	s23 =	simm.s32 $0x8200  }
0x105: {  	[tilespmem:s23], [sflag:$0x3] =	stream.indirect_vreg.gather [hbm4b:s2+s3], $0x80, v2, vm0, $0xb8;
	[tilespmem:$0x18200] =	vst v63  }
0x106: {  	s1 =	simm.s32 $0x8A00  }
0x107: {  	[tilespmem:s1], [sflag:$0x3] =	stream.indirect_vreg.gather [hbm4b:s5+s3], $0x80, v2, vm0, $0xb8;
	[tilespmem:$0x18200] =	vst v63  }
0x108: {  	s1 =	simm.s32 $0x9200  }
0x109: {  	[tilespmem:s1], [sflag:$0x3] =	stream.indirect_vreg.gather [hbm4b:s6+s3], $0x80, v2, vm0, $0xb8;
	[tilespmem:$0x18200] =	vst v63  }
0x10a: {  	s1 =	simm.s32 $0x9A00  }
0x10b: {  	[tilespmem:s1], [sflag:$0x3] =	stream.indirect_vreg.gather [hbm4b:s7+s3], $0x80, v2, vm0, $0xb8;
	[tilespmem:$0x18200] =	vst v63  }
0x10c: {  	s1 =	simm.s32 $0xA200  }
0x10d: {  	[tilespmem:s1], [sflag:$0x3] =	stream.indirect_vreg.gather [hbm4b:s8+s3], $0x80, v2, vm0, $0xb8;
	[tilespmem:$0x18200] =	vst v63  }
0x10e: {  	s1 =	simm.s32 $0xAA00  }
0x10f: {  	[tilespmem:s1], [sflag:$0x3] =	stream.indirect_vreg.gather [hbm4b:s9+s3], $0x80, v2, vm0, $0xb8;
	[tilespmem:$0x18200] =	vst v63  }
0x110: {  	s1 =	simm.s32 $0xB200  }
0x111: {  	[tilespmem:s1], [sflag:$0x3] =	stream.indirect_vreg.gather [hbm4b:s10+s3], $0x80, v2, vm0, $0xb8;
	[tilespmem:$0x18200] =	vst v63  }
0x112: {  	s1 =	simm.s32 $0xBA00  }
0x113: {  	[tilespmem:s1], [sflag:$0x3] =	stream.indirect_vreg.gather [hbm4b:s12+s3], $0x80, v2, vm0, $0xb8;
	[tilespmem:$0x18200] =	vst v63  }
0x114: {  	_ =	swait.ge [sflag:s30], $0x4000  }
0x115: {  	s1 =	rddreg [dreg:$0x7];
	[sflag:s30] =	ssyncset.done $0x0  }
0x116: {  	[sflag:s30] =	ssyncadd.s32 $0xFFFFC000;
	s1 =	sadd.s32 s21, s1  }
0x117: {  	[hbm4b:s1+s3] =	stream.linear.scatter [tilespmem:s20], [sflag:$0x8], $0x4000, $0x38;
	[tilespmem:$0x18200] =	vst v63  }
0x118: {  	_ =	swait.ge [sflag:s16], $0x4000  }
0x119: {  	[sflag:s16] =	ssyncset.done $0x0  }
0x11a: {  	[sflag:s16] =	ssyncadd.s32 $0xFFFFC000  }
0x11b: {  	v2 =	vld.msk [tilespmem:s0+$0xFFFFFFF0], $0xff;
	_ =	sdelay $0x4  }
0x11c: {  	v3 =	vshll.u32 v2, $0x4  }
0x11d: {  	v2 =	vand.u32 $0x7, v2;
	v3 =	vand.u32 $0xFFFFFF80, v3  }
0x11e: {  	v2 =	vor.u32 v2, v3  }
0x11f: {  	v2 =	vperm.xlane v2, v0;
	_ =	sdelay $0x1  }
0x120: {  	v2 =	vadd.s32 v1, v2;
	_ =	sdelay $0x3  }
0x121: {  	s29 =	simm.s32 $0xC200  }
0x122: {  	[tilespmem:s29], [sflag:$0x4] =	stream.indirect_vreg.gather [hbm4b:s2+s3], $0x80, v2, vm0, $0xb8;
	[tilespmem:$0x18200] =	vst v63  }
0x123: {  	s20 =	simm.s32 $0xCA00  }
0x124: {  	[tilespmem:s20], [sflag:$0x4] =	stream.indirect_vreg.gather [hbm4b:s5+s3], $0x80, v2, vm0, $0xb8;
	[tilespmem:$0x18200] =	vst v63  }
0x125: {  	s20 =	simm.s32 $0xD200  }
0x126: {  	[tilespmem:s20], [sflag:$0x4] =	stream.indirect_vreg.gather [hbm4b:s6+s3], $0x80, v2, vm0, $0xb8;
	[tilespmem:$0x18200] =	vst v63  }
0x127: {  	s20 =	simm.s32 $0xDA00  }
0x128: {  	[tilespmem:s20], [sflag:$0x4] =	stream.indirect_vreg.gather [hbm4b:s7+s3], $0x80, v2, vm0, $0xb8;
	[tilespmem:$0x18200] =	vst v63  }
0x129: {  	s20 =	simm.s32 $0xE200  }
0x12a: {  	[tilespmem:s20], [sflag:$0x4] =	stream.indirect_vreg.gather [hbm4b:s8+s3], $0x80, v2, vm0, $0xb8;
	[tilespmem:$0x18200] =	vst v63  }
0x12b: {  	s20 =	simm.s32 $0xEA00  }
0x12c: {  	[tilespmem:s20], [sflag:$0x4] =	stream.indirect_vreg.gather [hbm4b:s9+s3], $0x80, v2, vm0, $0xb8;
	[tilespmem:$0x18200] =	vst v63  }
0x12d: {  	s20 =	simm.s32 $0xF200  }
0x12e: {  	[tilespmem:s20], [sflag:$0x4] =	stream.indirect_vreg.gather [hbm4b:s10+s3], $0x80, v2, vm0, $0xb8;
	[tilespmem:$0x18200] =	vst v63  }
0x12f: {  	s20 =	simm.s32 $0xFA00  }
0x130: {  	[tilespmem:s20], [sflag:$0x4] =	stream.indirect_vreg.gather [hbm4b:s12+s3], $0x80, v2, vm0, $0xb8;
	[tilespmem:$0x18200] =	vst v63  }
0x131: {  	_ =	swait.ge [sflag:s17], $0x4000  }
0x132: {  	s20 =	rddreg [dreg:$0x9];
	[sflag:s17] =	ssyncset.done $0x0  }
0x133: {  	[sflag:s17] =	ssyncadd.s32 $0xFFFFC000;
	s1 =	sadd.s32 s21, s20  }
0x134: {  	[hbm4b:s1+s3] =	stream.linear.scatter [tilespmem:s23], [sflag:$0x9], $0x4000, $0x38;
	[tilespmem:$0x18200] =	vst v63  }
0x135: {  	_ =	swait.ge [sflag:s25], $0x4000  }
0x136: {  	[sflag:s25] =	ssyncset.done $0x0  }
0x137: {  	[sflag:s25] =	ssyncadd.s32 $0xFFFFC000  }
0x138: {  	v2 =	vld.msk [tilespmem:s0+$0xFFFFFFF8], $0xff;
	_ =	sdelay $0x4  }
0x139: {  	v3 =	vshll.u32 v2, $0x4  }
0x13a: {  	v2 =	vand.u32 $0x7, v2;
	v3 =	vand.u32 $0xFFFFFF80, v3  }
0x13b: {  	v2 =	vor.u32 v2, v3  }
0x13c: {  	v2 =	vperm.xlane v2, v0;
	_ =	sdelay $0x1  }
0x13d: {  	v2 =	vadd.s32 v1, v2;
	_ =	sdelay $0x4  }
0x13e: {  	[tilespmem:s31], [sflag:$0x5] =	stream.indirect_vreg.gather [hbm4b:s2+s3], $0x80, v2, vm0, $0xb8;
	[tilespmem:$0x18200] =	vst v63  }
0x13f: {  	s1 =	simm.s32 $0x10A00  }
0x140: {  	[tilespmem:s1], [sflag:$0x5] =	stream.indirect_vreg.gather [hbm4b:s5+s3], $0x80, v2, vm0, $0xb8;
	[tilespmem:$0x18200] =	vst v63  }
0x141: {  	s1 =	simm.s32 $0x11200  }
0x142: {  	[tilespmem:s1], [sflag:$0x5] =	stream.indirect_vreg.gather [hbm4b:s6+s3], $0x80, v2, vm0, $0xb8;
	[tilespmem:$0x18200] =	vst v63  }
0x143: {  	s23 =	simm.s32 $0x11A00  }
0x144: {  	[tilespmem:s23], [sflag:$0x5] =	stream.indirect_vreg.gather [hbm4b:s7+s3], $0x80, v2, vm0, $0xb8;
	[tilespmem:$0x18200] =	vst v63  }
0x145: {  	s1 =	simm.s32 $0x12200  }
0x146: {  	[tilespmem:s1], [sflag:$0x5] =	stream.indirect_vreg.gather [hbm4b:s8+s3], $0x80, v2, vm0, $0xb8;
	[tilespmem:$0x18200] =	vst v63  }
0x147: {  	s31 =	simm.s32 $0x12A00  }
0x148: {  	[tilespmem:s31], [sflag:$0x5] =	stream.indirect_vreg.gather [hbm4b:s9+s3], $0x80, v2, vm0, $0xb8;
	[tilespmem:$0x18200] =	vst v63  }
0x149: {  	s1 =	simm.s32 $0x13200  }
0x14a: {  	[tilespmem:s1], [sflag:$0x5] =	stream.indirect_vreg.gather [hbm4b:s10+s3], $0x80, v2, vm0, $0xb8;
	[tilespmem:$0x18200] =	vst v63  }
0x14b: {  	s1 =	simm.s32 $0x13A00  }
0x14c: {  	[tilespmem:s1], [sflag:$0x5] =	stream.indirect_vreg.gather [hbm4b:s12+s3], $0x80, v2, vm0, $0xb8;
	[tilespmem:$0x18200] =	vst v63  }
0x14d: {  	_ =	swait.ge [sflag:s22], $0x4000  }
0x14e: {  	s1 =	rddreg [dreg:$0x8];
	[sflag:s22] =	ssyncset.done $0x0  }
0x14f: {  	[sflag:s22] =	ssyncadd.s32 $0xFFFFC000;
	s1 =	sadd.s32 s21, s1  }
0x150: {  	[hbm4b:s1+s3] =	stream.linear.scatter [tilespmem:s29], [sflag:$0xA], $0x4000, $0x38;
	[tilespmem:$0x18200] =	vst v63  }
0x151: {  	_ =	swait.ge [sflag:s26], $0x4000  }
0x152: {  	[sflag:s26] =	ssyncset.done $0x0  }
0x153: {  	[sflag:s26] =	ssyncadd.s32 $0xFFFFC000  }
0x154: {  	v2 =	vld.msk [tilespmem:s0+$0x0], $0xff;
	_ =	sdelay $0x4  }
0x155: {  	v3 =	vshll.u32 v2, $0x4  }
0x156: {  	v2 =	vand.u32 $0x7, v2;
	v3 =	vand.u32 $0xFFFFFF80, v3  }
0x157: {  	v2 =	vor.u32 v2, v3  }
0x158: {  	v2 =	vperm.xlane v2, v0;
	_ =	sdelay $0x1  }
0x159: {  	v2 =	vadd.s32 v1, v2;
	_ =	sdelay $0x4  }
0x15a: {  	[tilespmem:s24], [sflag:$0x6] =	stream.indirect_vreg.gather [hbm4b:s2+s3], $0x80, v2, vm0, $0xb8;
	[tilespmem:$0x18200] =	vst v63  }
0x15b: {  	s24 =	simm.s32 $0x14A00  }
0x15c: {  	[tilespmem:s24], [sflag:$0x6] =	stream.indirect_vreg.gather [hbm4b:s5+s3], $0x80, v2, vm0, $0xb8;
	[tilespmem:$0x18200] =	vst v63  }
0x15d: {  	s24 =	simm.s32 $0x15200  }
0x15e: {  	[tilespmem:s24], [sflag:$0x6] =	stream.indirect_vreg.gather [hbm4b:s6+s3], $0x80, v2, vm0, $0xb8;
	[tilespmem:$0x18200] =	vst v63  }
0x15f: {  	s24 =	simm.s32 $0x15A00  }
0x160: {  	[tilespmem:s24], [sflag:$0x6] =	stream.indirect_vreg.gather [hbm4b:s7+s3], $0x80, v2, vm0, $0xb8;
	[tilespmem:$0x18200] =	vst v63  }
0x161: {  	s24 =	simm.s32 $0x16200  }
0x162: {  	[tilespmem:s24], [sflag:$0x6] =	stream.indirect_vreg.gather [hbm4b:s8+s3], $0x80, v2, vm0, $0xb8;
	[tilespmem:$0x18200] =	vst v63  }
0x163: {  	p0 =	sne.s32 s21, $0x18000;
	s24 =	simm.s32 $0x16A00  }
0x164: {  	[tilespmem:s24], [sflag:$0x6] =	stream.indirect_vreg.gather [hbm4b:s9+s3], $0x80, v2, vm0, $0xb8;
	[tilespmem:$0x18200] =	vst v63  }
.Ltmp0:
0x165: {  	_ = 	snop;
	(pc) =	sbr.rel @p0 .LBB2_2-.Ltmp0, $4  }
0x166: {  	s20 =	simm.s32 $0x10200  }
0x167: {  	[tilespmem:s18], [sflag:$0x6] =	stream.indirect_vreg.gather [hbm4b:s10+s3], $0x80, v2, vm0, $0xb8;
	[tilespmem:$0x18200] =	vst v63  }
0x168: {  	s21 =	sadd.s32 $0x3000, s21;
	s29 =	simm.s32 $0x14200;
	s0 =	sadd.s32 $0x30, s0  }
0x169: {  	[tilespmem:s28], [sflag:$0x6] =	stream.indirect_vreg.gather [hbm4b:s12+s3], $0x80, v2, vm0, $0xb8;
	[tilespmem:$0x18200] =	vst v63  }
0x16a: {  	_ =	swait.ge [sflag:s4], $0x4000  }
0x16b: {  	[sflag:s4] =	ssyncset.done $0x0  }
0x16c: {  	s0 =	rddreg [dreg:$0xf];
	[sflag:s4] =	ssyncadd.s32 $0xFFFFC000  }
0x16d: {  	[hbm4b:s0+s3] =	stream.linear.scatter [tilespmem:s20], [sflag:$0xB], $0x4000, $0x38;
	[tilespmem:$0x18200] =	vst v63  }
0x16e: {  	_ =	swait.ge [sflag:s13], $0x4000  }
0x16f: {  	[sflag:s13] =	ssyncset.done $0x0  }
0x170: {  	[sflag:s13] =	ssyncadd.s32 $0xFFFFC000  }
0x171: {  	v2 =	vld.msk [tilespmem:$0x1E0], $0xff;
	_ =	sdelay $0x4  }
0x172: {  	v3 =	vshll.u32 v2, $0x4  }
0x173: {  	v2 =	vand.u32 $0x7, v2;
	v3 =	vand.u32 $0xFFFFFF80, v3  }
0x174: {  	v2 =	vor.u32 v2, v3  }
0x175: {  	v2 =	vperm.xlane v2, v0;
	_ =	sdelay $0x1  }
0x176: {  	v2 =	vadd.s32 v1, v2;
	_ =	sdelay $0x3  }
0x177: {  	s1 =	simm.s32 $0x200  }
0x178: {  	[tilespmem:s1], [sflag:$0x1] =	stream.indirect_vreg.gather [hbm4b:s2+s3], $0x80, v2, vm0, $0xb8;
	[tilespmem:$0x18200] =	vst v63  }
0x179: {  	s21 =	simm.s32 $0xA00  }
0x17a: {  	[tilespmem:s21], [sflag:$0x1] =	stream.indirect_vreg.gather [hbm4b:s5+s3], $0x80, v2, vm0, $0xb8;
	[tilespmem:$0x18200] =	vst v63  }
0x17b: {  	s24 =	simm.s32 $0x1200  }
0x17c: {  	[tilespmem:s24], [sflag:$0x1] =	stream.indirect_vreg.gather [hbm4b:s6+s3], $0x80, v2, vm0, $0xb8;
	[tilespmem:$0x18200] =	vst v63  }
0x17d: {  	s28 =	simm.s32 $0x1A00  }
0x17e: {  	[tilespmem:s28], [sflag:$0x1] =	stream.indirect_vreg.gather [hbm4b:s7+s3], $0x80, v2, vm0, $0xb8;
	[tilespmem:$0x18200] =	vst v63  }
0x17f: {  	s18 =	simm.s32 $0x2200  }
0x180: {  	[tilespmem:s18], [sflag:$0x1] =	stream.indirect_vreg.gather [hbm4b:s8+s3], $0x80, v2, vm0, $0xb8;
	[tilespmem:$0x18200] =	vst v63  }
0x181: {  	s21 =	simm.s32 $0x2A00  }
0x182: {  	[tilespmem:s21], [sflag:$0x1] =	stream.indirect_vreg.gather [hbm4b:s9+s3], $0x80, v2, vm0, $0xb8;
	[tilespmem:$0x18200] =	vst v63  }
0x183: {  	s24 =	simm.s32 $0x3200  }
0x184: {  	[tilespmem:s24], [sflag:$0x1] =	stream.indirect_vreg.gather [hbm4b:s10+s3], $0x80, v2, vm0, $0xb8;
	[tilespmem:$0x18200] =	vst v63  }
0x185: {  	s28 =	simm.s32 $0x3A00  }
0x186: {  	[tilespmem:s28], [sflag:$0x1] =	stream.indirect_vreg.gather [hbm4b:s12+s3], $0x80, v2, vm0, $0xb8;
	[tilespmem:$0x18200] =	vst v63  }
0x187: {  	_ =	swait.ge [sflag:s14], $0x4000  }
0x188: {  	[sflag:s14] =	ssyncset.done $0x0  }
0x189: {  	s18 =	rddreg [dreg:$0x10];
	[sflag:s14] =	ssyncadd.s32 $0xFFFFC000  }
0x18a: {  	[hbm4b:s18+s3] =	stream.linear.scatter [tilespmem:s29], [sflag:$0xC], $0x4000, $0x38;
	[tilespmem:$0x18200] =	vst v63  }
0x18b: {  	_ =	swait.ge [sflag:s15], $0x4000  }
0x18c: {  	[sflag:s15] =	ssyncset.done $0x0  }
0x18d: {  	[sflag:s15] =	ssyncadd.s32 $0xFFFFC000  }
0x18e: {  	v2 =	vld.msk [tilespmem:$0x1E8], $0xff;
	_ =	sdelay $0x4  }
0x18f: {  	v3 =	vshll.u32 v2, $0x4  }
0x190: {  	v2 =	vand.u32 $0x7, v2;
	v3 =	vand.u32 $0xFFFFFF80, v3  }
0x191: {  	v2 =	vor.u32 v2, v3  }
0x192: {  	v2 =	vperm.xlane v2, v0;
	_ =	sdelay $0x1  }
0x193: {  	v2 =	vadd.s32 v1, v2;
	_ =	sdelay $0x3  }
0x194: {  	s18 =	simm.s32 $0x4200  }
0x195: {  	[tilespmem:s18], [sflag:$0x2] =	stream.indirect_vreg.gather [hbm4b:s2+s3], $0x80, v2, vm0, $0xb8;
	[tilespmem:$0x18200] =	vst v63  }
0x196: {  	s21 =	simm.s32 $0x4A00  }
0x197: {  	[tilespmem:s21], [sflag:$0x2] =	stream.indirect_vreg.gather [hbm4b:s5+s3], $0x80, v2, vm0, $0xb8;
	[tilespmem:$0x18200] =	vst v63  }
0x198: {  	s24 =	simm.s32 $0x5200  }
0x199: {  	[tilespmem:s24], [sflag:$0x2] =	stream.indirect_vreg.gather [hbm4b:s6+s3], $0x80, v2, vm0, $0xb8;
	[tilespmem:$0x18200] =	vst v63  }
0x19a: {  	s28 =	simm.s32 $0x5A00  }
0x19b: {  	[tilespmem:s28], [sflag:$0x2] =	stream.indirect_vreg.gather [hbm4b:s7+s3], $0x80, v2, vm0, $0xb8;
	[tilespmem:$0x18200] =	vst v63  }
0x19c: {  	s21 =	simm.s32 $0x6200  }
0x19d: {  	[tilespmem:s21], [sflag:$0x2] =	stream.indirect_vreg.gather [hbm4b:s8+s3], $0x80, v2, vm0, $0xb8;
	[tilespmem:$0x18200] =	vst v63  }
0x19e: {  	s24 =	simm.s32 $0x6A00  }
0x19f: {  	[tilespmem:s24], [sflag:$0x2] =	stream.indirect_vreg.gather [hbm4b:s9+s3], $0x80, v2, vm0, $0xb8;
	[tilespmem:$0x18200] =	vst v63  }
0x1a0: {  	s28 =	simm.s32 $0x7200  }
0x1a1: {  	[tilespmem:s28], [sflag:$0x2] =	stream.indirect_vreg.gather [hbm4b:s10+s3], $0x80, v2, vm0, $0xb8;
	[tilespmem:$0x18200] =	vst v63  }
0x1a2: {  	s21 =	simm.s32 $0x7A00  }
0x1a3: {  	[tilespmem:s21], [sflag:$0x2] =	stream.indirect_vreg.gather [hbm4b:s12+s3], $0x80, v2, vm0, $0xb8;
	[tilespmem:$0x18200] =	vst v63  }
0x1a4: {  	_ =	swait.ge [sflag:s19], $0x4000  }
0x1a5: {  	[sflag:s19] =	ssyncset.done $0x0  }
0x1a6: {  	s24 =	rddreg [dreg:$0x11];
	[sflag:s19] =	ssyncadd.s32 $0xFFFFC000  }
0x1a7: {  	[hbm4b:s24+s3] =	stream.linear.scatter [tilespmem:s1], [sflag:$0x7], $0x4000, $0x38;
	[tilespmem:$0x18200] =	vst v63  }
0x1a8: {  	_ =	swait.ge [sflag:s11], $0x4000  }
0x1a9: {  	[sflag:s11] =	ssyncset.done $0x0  }
0x1aa: {  	[sflag:s11] =	ssyncadd.s32 $0xFFFFC000  }
0x1ab: {  	v2 =	vld.msk [tilespmem:$0x1F0], $0xff;
	_ =	sdelay $0x4  }
0x1ac: {  	v3 =	vshll.u32 v2, $0x4  }
0x1ad: {  	v2 =	vand.u32 $0x7, v2;
	v3 =	vand.u32 $0xFFFFFF80, v3  }
0x1ae: {  	v2 =	vor.u32 v2, v3  }
0x1af: {  	v2 =	vperm.xlane v2, v0;
	_ =	sdelay $0x1  }
0x1b0: {  	v2 =	vadd.s32 v1, v2;
	_ =	sdelay $0x3  }
0x1b1: {  	s1 =	simm.s32 $0x8200  }
0x1b2: {  	[tilespmem:s1], [sflag:$0x3] =	stream.indirect_vreg.gather [hbm4b:s2+s3], $0x80, v2, vm0, $0xb8;
	[tilespmem:$0x18200] =	vst v63  }
0x1b3: {  	s28 =	simm.s32 $0x8A00  }
0x1b4: {  	[tilespmem:s28], [sflag:$0x3] =	stream.indirect_vreg.gather [hbm4b:s5+s3], $0x80, v2, vm0, $0xb8;
	[tilespmem:$0x18200] =	vst v63  }
0x1b5: {  	s21 =	simm.s32 $0x9200  }
0x1b6: {  	[tilespmem:s21], [sflag:$0x3] =	stream.indirect_vreg.gather [hbm4b:s6+s3], $0x80, v2, vm0, $0xb8;
	[tilespmem:$0x18200] =	vst v63  }
0x1b7: {  	s24 =	simm.s32 $0x9A00  }
0x1b8: {  	[tilespmem:s24], [sflag:$0x3] =	stream.indirect_vreg.gather [hbm4b:s7+s3], $0x80, v2, vm0, $0xb8;
	[tilespmem:$0x18200] =	vst v63  }
0x1b9: {  	s28 =	simm.s32 $0xA200  }
0x1ba: {  	[tilespmem:s28], [sflag:$0x3] =	stream.indirect_vreg.gather [hbm4b:s8+s3], $0x80, v2, vm0, $0xb8;
	[tilespmem:$0x18200] =	vst v63  }
0x1bb: {  	s21 =	simm.s32 $0xAA00  }
0x1bc: {  	[tilespmem:s21], [sflag:$0x3] =	stream.indirect_vreg.gather [hbm4b:s9+s3], $0x80, v2, vm0, $0xb8;
	[tilespmem:$0x18200] =	vst v63  }
0x1bd: {  	s24 =	simm.s32 $0xB200  }
0x1be: {  	[tilespmem:s24], [sflag:$0x3] =	stream.indirect_vreg.gather [hbm4b:s10+s3], $0x80, v2, vm0, $0xb8;
	[tilespmem:$0x18200] =	vst v63  }
0x1bf: {  	s28 =	simm.s32 $0xBA00  }
0x1c0: {  	[tilespmem:s28], [sflag:$0x3] =	stream.indirect_vreg.gather [hbm4b:s12+s3], $0x80, v2, vm0, $0xb8;
	[tilespmem:$0x18200] =	vst v63  }
0x1c1: {  	_ =	swait.ge [sflag:s30], $0x4000  }
0x1c2: {  	[sflag:s30] =	ssyncset.done $0x0  }
0x1c3: {  	s21 =	rddreg [dreg:$0x12];
	[sflag:s30] =	ssyncadd.s32 $0xFFFFC000  }
0x1c4: {  	[hbm4b:s21+s3] =	stream.linear.scatter [tilespmem:s18], [sflag:$0x8], $0x4000, $0x38;
	[tilespmem:$0x18200] =	vst v63  }
0x1c5: {  	_ =	swait.ge [sflag:s16], $0x4000  }
0x1c6: {  	[sflag:s16] =	ssyncset.done $0x0  }
0x1c7: {  	[sflag:s16] =	ssyncadd.s32 $0xFFFFC000  }
0x1c8: {  	v2 =	vld.msk [tilespmem:$0x1F8], $0xff;
	_ =	sdelay $0x4  }
0x1c9: {  	v3 =	vshll.u32 v2, $0x4  }
0x1ca: {  	v2 =	vand.u32 $0x7, v2;
	v3 =	vand.u32 $0xFFFFFF80, v3  }
0x1cb: {  	v2 =	vor.u32 v2, v3  }
0x1cc: {  	v2 =	vperm.xlane v2, v0;
	_ =	sdelay $0x1  }
0x1cd: {  	v2 =	vadd.s32 v1, v2;
	_ =	sdelay $0x3  }
0x1ce: {  	s18 =	simm.s32 $0xC200  }
0x1cf: {  	[tilespmem:s18], [sflag:$0x4] =	stream.indirect_vreg.gather [hbm4b:s2+s3], $0x80, v2, vm0, $0xb8;
	[tilespmem:$0x18200] =	vst v63  }
0x1d0: {  	s24 =	simm.s32 $0xCA00  }
0x1d1: {  	[tilespmem:s24], [sflag:$0x4] =	stream.indirect_vreg.gather [hbm4b:s5+s3], $0x80, v2, vm0, $0xb8;
	[tilespmem:$0x18200] =	vst v63  }
0x1d2: {  	s28 =	simm.s32 $0xD200  }
0x1d3: {  	[tilespmem:s28], [sflag:$0x4] =	stream.indirect_vreg.gather [hbm4b:s6+s3], $0x80, v2, vm0, $0xb8;
	[tilespmem:$0x18200] =	vst v63  }
0x1d4: {  	s21 =	simm.s32 $0xDA00  }
0x1d5: {  	[tilespmem:s21], [sflag:$0x4] =	stream.indirect_vreg.gather [hbm4b:s7+s3], $0x80, v2, vm0, $0xb8;
	[tilespmem:$0x18200] =	vst v63  }
0x1d6: {  	s24 =	simm.s32 $0xE200  }
0x1d7: {  	[tilespmem:s24], [sflag:$0x4] =	stream.indirect_vreg.gather [hbm4b:s8+s3], $0x80, v2, vm0, $0xb8;
	[tilespmem:$0x18200] =	vst v63  }
0x1d8: {  	s28 =	simm.s32 $0xEA00  }
0x1d9: {  	[tilespmem:s28], [sflag:$0x4] =	stream.indirect_vreg.gather [hbm4b:s9+s3], $0x80, v2, vm0, $0xb8;
	[tilespmem:$0x18200] =	vst v63  }
0x1da: {  	s21 =	simm.s32 $0xF200  }
0x1db: {  	[tilespmem:s21], [sflag:$0x4] =	stream.indirect_vreg.gather [hbm4b:s10+s3], $0x80, v2, vm0, $0xb8;
	[tilespmem:$0x18200] =	vst v63  }
0x1dc: {  	s24 =	simm.s32 $0xFA00  }
0x1dd: {  	[tilespmem:s24], [sflag:$0x4] =	stream.indirect_vreg.gather [hbm4b:s12+s3], $0x80, v2, vm0, $0xb8;
	[tilespmem:$0x18200] =	vst v63  }
0x1de: {  	_ =	swait.ge [sflag:s17], $0x4000  }
0x1df: {  	[sflag:s17] =	ssyncset.done $0x0  }
0x1e0: {  	s28 =	rddreg [dreg:$0x13];
	[sflag:s17] =	ssyncadd.s32 $0xFFFFC000  }
0x1e1: {  	[hbm4b:s28+s3] =	stream.linear.scatter [tilespmem:s1], [sflag:$0x9], $0x4000, $0x38;
	[tilespmem:$0x18200] =	vst v63  }
0x1e2: {  	_ =	swait.ge [sflag:s25], $0x4000  }
0x1e3: {  	[sflag:s25] =	ssyncset.done $0x0  }
0x1e4: {  	[sflag:s25] =	ssyncadd.s32 $0xFFFFC000  }
0x1e5: {  	_ =	swait.ge [sflag:s22], $0x4000  }
0x1e6: {  	[sflag:s22] =	ssyncset.done $0x0  }
0x1e7: {  	s21 =	rddreg [dreg:$0x14];
	[sflag:s22] =	ssyncadd.s32 $0xFFFFC000  }
0x1e8: {  	[hbm4b:s21+s3] =	stream.linear.scatter [tilespmem:s18], [sflag:$0xA], $0x4000, $0x38;
	[tilespmem:$0x18200] =	vst v63  }
0x1e9: {  	_ =	swait.ge [sflag:s26], $0x4000  }
0x1ea: {  	[sflag:s26] =	ssyncset.done $0x0  }
0x1eb: {  	[sflag:s26] =	ssyncadd.s32 $0xFFFFC000  }
0x1ec: {  	_ =	swait.ge [sflag:s13], $0x4000  }
0x1ed: {  	[sflag:s13] =	ssyncset.done $0x0  }
0x1ee: {  	[sflag:s13] =	ssyncadd.s32 $0xFFFFC000  }
0x1ef: {  	_ =	swait.ge [sflag:s15], $0x4000  }
0x1f0: {  	[sflag:s15] =	ssyncset.done $0x0  }
0x1f1: {  	[sflag:s15] =	ssyncadd.s32 $0xFFFFC000  }
0x1f2: {  	_ =	swait.ge [sflag:s11], $0x4000  }
0x1f3: {  	[sflag:s11] =	ssyncset.done $0x0  }
0x1f4: {  	[sflag:s11] =	ssyncadd.s32 $0xFFFFC000  }
0x1f5: {  	_ =	swait.ge [sflag:s16], $0x4000  }
0x1f6: {  	s24 =	rddreg [dreg:$0x16]  }
0x1f7: {  	s28 =	rddreg [dreg:$0x15];
	s1 =	sadd.s32 $0x1, s24  }
0x1f8: {  	p0 =	sne.s32 s1, s28  }
.Ltmp1:
0x1f9: {  	_ = 	snop;
	(pc) =	sbr.rel @p0 .LBB2_1-.Ltmp1, $3  }
0x1fa: {  	_ =	sdelay $0x1  }
0x1fb: {  	s21 =	simm.s32 $0x10A00;
	[sflag:s16] =	ssyncset.done $0x0  }
0x1fc: {  	s18 =	simm.s32 $0x13200;
	[sflag:s16] =	ssyncadd.s32 $0xFFFFC000;
	s24 =	simm.s32 $0x11200  }
0x1fd: {  	_ =	sfence.sel $0x180000  }
0x1fe: {  	[bflag:$0x0] =	sbarrier.arrive $0xFFFF  }
0x1ff: {  	_ =	strace $0x90000047  }
0x200: {  	s0 =	stileid.u32;
	[bflag:$0x2] =	sbarrier.arrive $0xFFFF  }
0x201: {  	p0 =	sne.s32 s0, $0x0;
	s0 =	rddreg [dreg:$0x3]  }
0x202: {  	s0 =	sadd.s32 @!p0 $0x100000, s0  }
0x203: {  	[sflag:s0] =	ssyncadd.tile.s32 @!p0 $0x1;
	_ =	shalt  }
.Lfunc_end2:
_tile_overlayer_lowered:
.L_overlay_start_2:
0x204: {  	(tag) =	ssettag $0x2  }
0x205: {  	s0 =	rddreg [dreg:$0x0];
	s2 =	stileid.u32  }
0x206: {  	s1 =	rddreg [dreg:$0x1];
	p0 =	sne.s32 s2, $0x0  }
0x207: {  	s3 =	rddreg [dreg:$0x2];
	[bflag:$0x3] =	sbarrier.arrive $0xFFFF;
	s2 =	simm.s32 @!p0 $0x1C0D  }
0x208: {  	[timem:s3], [sflag:s2] =	dma.local @!p0 [hbm:s0], s1  }
0x209: {  	s0 =	simm.s32 @!p0 $0xD  }
0x20a: {  	_ =	swait.ge @!p0 [sflag:s0], s1  }
0x20b: {  	s1 =	ssub.s32 @!p0 $0x0, s1;
	[sflag:s0] =	ssyncset.done @!p0 $0x0  }
0x20c: {  	[sflag:s0] =	ssyncadd.s32 @!p0 s1  }
0x20d: {  	[bflag:$0x3] =	sbarrier.arrive $0xFFFF  }
0x20e: {  	_ =	shalt  }

</sc_bundles>
